<compile_context>
chip_gen: v7x
topology: tpu7x:2x2x1
jax: 0.10.2.dev20260603
libtpu: 0.0.44.dev20260713+nightly
codegen_flags: <defaults>
</compile_context>

<pallas_src>
import jax
import jax.numpy as jnp
from jax import lax
from jax.experimental import pallas as pl
from jax.experimental.pallas import tpu as pltpu
from jax.experimental.pallas import tpu_sc as plsc

_R = 128
_N = _R * _R * _R
_B = 2
_TOT = _B * _N
_NW = 32
_VPW = _TOT // _NW
_CH = 1024
_REP = 64
_FB = _TOT
_NCHUNK = _VPW // _CH
_STEPS = _CH // 16


def _round_bf16(v):
    c = v * jnp.float32(65537.0)
    return c - (c - v)


def _sc_body(flat_hbm, coef_hbm, out_hbm,
             idx_v, gat_v, wt_v, out_v, coef_v, cidx_v, cv_v, sem):
    wid = lax.axis_index("s") * 2 + lax.axis_index("c")
    b = wid // 16
    base_n = wid * _VPW

    pltpu.sync_copy(coef_hbm.at[pl.ds(b * 16, 16)], coef_v)

    lane = lax.iota(jnp.int32, 16)
    c16 = coef_v[...]
    t00 = c16[0]
    t01 = c16[1]
    t02 = c16[2]
    t03 = c16[3]
    t10 = c16[4]
    t11 = c16[5]
    t12 = c16[6]
    t13 = c16[7]
    t20 = c16[8]
    t21 = c16[9]
    t22 = c16[10]
    t23 = c16[11]
    half = jnp.float32(0.5)
    one = jnp.float32(1.0)
    rf = jnp.float32(_R)
    base_i = b * _N

    xbit = jnp.bitwise_and(lane, 1)
    ybit = jnp.bitwise_and(lax.shift_right_logical(lane, 1), 1)
    zbit = jnp.bitwise_and(lax.shift_right_logical(lane, 2), 1)
    cidx_v[...] = (base_i + xbit * 127 + ybit * 16256 + zbit * 2080768)
    pltpu.async_copy(flat_hbm.at[cidx_v], cv_v, sem).wait()
    cvv = cv_v[...]
    cv0 = cvv[0]
    cv1 = cvv[1]
    cv2 = cvv[2]
    cv3 = cvv[3]
    cv4 = cvv[4]
    cv5 = cvv[5]
    cv6 = cvv[6]
    cv7 = cvv[7]

    def axis_parts(coord):
        ci = coord.astype(jnp.int32)
        c0 = jnp.minimum(jnp.maximum(ci, 0), 127)
        c1 = jnp.minimum(jnp.maximum(ci + 1, 0), 127)
        c0f = c0.astype(jnp.float32)
        c1f = c1.astype(jnp.float32)
        return c0, c1 - c0, c1f - coord, coord - c0f

    def chunk(c, _):
        n0 = base_n + c * _CH

        def compute(s, _):
            n = n0 + s * 16 + lane
            kk = jnp.bitwise_and(n, _R - 1)
            jj = jnp.bitwise_and(lax.shift_right_logical(n, 7), _R - 1)
            ii = jnp.bitwise_and(lax.shift_right_logical(n, 14), _R - 1)
            lstep = jnp.float32(2.0 / 127.0)
            xlj = _round_bf16(jj.astype(jnp.float32) * lstep - one)
            yli = _round_bf16(ii.astype(jnp.float32) * lstep - one)
            zlk = _round_bf16(kk.astype(jnp.float32) * lstep - one)
            xs = (t00 * xlj + t03) + (t01 * yli + t02 * zlk)
            ys = (t10 * xlj + t13) + (t11 * yli + t12 * zlk)
            zs = (t20 * xlj + t23) + (t21 * yli + t22 * zlk)
            xp = half * (xs + one) * rf
            yp = half * (ys + one) * rf
            zp = half * (zs + one) * rf
            x0, dx, ax0, ax1 = axis_parts(xp)
            y0, dy, ay0, ay1 = axis_parts(yp)
            z0, dz, az0, az1 = axis_parts(zp)
            i000 = (base_i + lax.shift_left(z0, 14)
                    + lax.shift_left(y0, 7) + x0)
            dyw = lax.shift_left(dy, 7)
            dzw = lax.shift_left(dz, 14)
            deg = (dx + (dy + dz)) == 0
            xhiv = x0 == 127
            yhiv = y0 == 127
            zhiv = z0 == 127
            v01 = jnp.where(xhiv, cv1, cv0)
            v23 = jnp.where(xhiv, cv3, cv2)
            v45 = jnp.where(xhiv, cv5, cv4)
            v67 = jnp.where(xhiv, cv7, cv6)
            va = jnp.where(yhiv, v23, v01)
            vb = jnp.where(yhiv, v67, v45)
            vsel = jnp.where(zhiv, vb, va)
            dum = jnp.bitwise_and(n, _N - 1)
            cx = dx == 0
            cy = dy == 0
            cz = dz == 0
            cxy = jnp.logical_or(cx, cy)
            cxz = jnp.logical_or(cx, cz)
            cyz = jnp.logical_or(cy, cz)
            cxyz = jnp.logical_or(cxy, cz)
            anyc = cxyz
            xhi_i = jnp.where(xhiv, 1, 0)
            yhi_i = jnp.where(yhiv, 1, 0)
            zhi_i = jnp.where(zhiv, 1, 0)
            fid = jnp.where(cx, xhi_i, jnp.where(cy, 2 + yhi_i, 4 + zhi_i))
            rep = jnp.bitwise_and(n, _REP - 1)
            fbase = (_FB + lax.shift_left(rep * 12 + (b * 6 + fid), 14))
            z07 = lax.shift_left(z0, 7)
            dz7 = lax.shift_left(dz, 7)
            y07 = lax.shift_left(y0, 7)
            dy7 = lax.shift_left(dy, 7)
            def fpos(zz7, yy, yy7, xx):
                return jnp.where(cx, zz7 + yy, jnp.where(cy, zz7 + xx, yy7 + xx))
            x1c = x0 + dx
            y1c = y0 + dy
            p000 = fpos(z07, y0, y07, x0)
            p001 = fpos(z07 + dz7, y0, y07, x0)
            p010 = fpos(z07, y1c, y07 + dy7, x0)
            p011 = fpos(z07 + dz7, y1c, y07 + dy7, x0)
            p100 = fpos(z07, y0, y07, x1c)
            p101 = fpos(z07 + dz7, y0, y07, x1c)
            p110 = fpos(z07, y1c, y07 + dy7, x1c)
            p111 = fpos(z07 + dz7, y1c, y07 + dy7, x1c)
            def route(used_dum, flat_i, pos):
                real = jnp.where(anyc, fbase + pos, flat_i)
                return jnp.where(used_dum, dum, real)
            s16 = s * 16
            idx_v[pl.ds(0 * _CH + s16, 16)] = route(deg, i000, p000)
            idx_v[pl.ds(1 * _CH + s16, 16)] = route(cz, i000 + dzw, p001)
            idx_v[pl.ds(2 * _CH + s16, 16)] = route(cy, i000 + dyw, p010)
            idx_v[pl.ds(3 * _CH + s16, 16)] = route(cyz, i000 + (dyw + dzw), p011)
            idx_v[pl.ds(4 * _CH + s16, 16)] = route(cx, i000 + dx, p100)
            idx_v[pl.ds(5 * _CH + s16, 16)] = route(cxz, i000 + (dx + dzw), p101)
            idx_v[pl.ds(6 * _CH + s16, 16)] = route(cxy, i000 + (dx + dyw), p110)
            idx_v[pl.ds(7 * _CH + s16, 16)] = route(cxyz, i000 + ((dx + dyw) + dzw), p111)
            wt_v[0, pl.ds(s16, 16)] = ax0
            wt_v[1, pl.ds(s16, 16)] = ax1
            wt_v[2, pl.ds(s16, 16)] = ay0
            wt_v[3, pl.ds(s16, 16)] = ay1
            wt_v[4, pl.ds(s16, 16)] = az0
            wt_v[5, pl.ds(s16, 16)] = az1
            wt_v[6, pl.ds(s16, 16)] = jnp.where(deg, one, jnp.float32(0.0))
            wt_v[7, pl.ds(s16, 16)] = vsel
            zero = jnp.float32(0.0)
            wt_v[8, pl.ds(s16, 16)] = jnp.where(cx, one, zero)
            wt_v[9, pl.ds(s16, 16)] = jnp.where(cy, one, zero)
            wt_v[10, pl.ds(s16, 16)] = jnp.where(cz, one, zero)
            return _

        lax.fori_loop(0, _STEPS, compute, None)

        pltpu.async_copy(flat_hbm.at[idx_v], gat_v, sem).wait()

        def combine(s, _):
            s16 = s * 16
            ax0 = wt_v[0, pl.ds(s16, 16)]
            ax1 = wt_v[1, pl.ds(s16, 16)]
            ay0 = wt_v[2, pl.ds(s16, 16)]
            ay1 = wt_v[3, pl.ds(s16, 16)]
            az0 = wt_v[4, pl.ds(s16, 16)]
            az1 = wt_v[5, pl.ds(s16, 16)]
            degm = wt_v[6, pl.ds(s16, 16)] > half
            vsel = wt_v[7, pl.ds(s16, 16)]
            cx = wt_v[8, pl.ds(s16, 16)] > half
            cy = wt_v[9, pl.ds(s16, 16)] > half
            cz = wt_v[10, pl.ds(s16, 16)] > half
            r000 = gat_v[pl.ds(0 * _CH + s16, 16)]
            r001 = gat_v[pl.ds(1 * _CH + s16, 16)]
            r010 = gat_v[pl.ds(2 * _CH + s16, 16)]
            r011 = gat_v[pl.ds(3 * _CH + s16, 16)]
            r100 = gat_v[pl.ds(4 * _CH + s16, 16)]
            r101 = gat_v[pl.ds(5 * _CH + s16, 16)]
            r110 = gat_v[pl.ds(6 * _CH + s16, 16)]
            r111 = gat_v[pl.ds(7 * _CH + s16, 16)]
            G000 = r000
            G100 = jnp.where(cx, G000, r100)
            G010 = jnp.where(cy, G000, r010)
            G110 = jnp.where(cx, G010, jnp.where(cy, G100, r110))
            G001 = jnp.where(cz, G000, r001)
            G101 = jnp.where(cz, G100, jnp.where(cx, G001, r101))
            G011 = jnp.where(cz, G010, jnp.where(cy, G001, r011))
            G111 = jnp.where(cz, G110, jnp.where(cx, G011, jnp.where(cy, G101, r111)))
            g000 = jnp.where(degm, vsel, G000)
            g001 = jnp.where(degm, vsel, G001)
            g010 = jnp.where(degm, vsel, G010)
            g011 = jnp.where(degm, vsel, G011)
            g100 = jnp.where(degm, vsel, G100)
            g101 = jnp.where(degm, vsel, G101)
            g110 = jnp.where(degm, vsel, G110)
            g111 = jnp.where(degm, vsel, G111)
            m00 = ax0 * ay0
            m01 = ax0 * ay1
            m10 = ax1 * ay0
            m11 = ax1 * ay1
            acc = (m00 * az0) * g000
            acc = acc + (m00 * az1) * g001
            acc = acc + (m01 * az0) * g010
            acc = acc + (m01 * az1) * g011
            acc = acc + (m10 * az0) * g100
            acc = acc + (m10 * az1) * g101
            acc = acc + (m11 * az0) * g110
            acc = acc + (m11 * az1) * g111
            out_v[pl.ds(s16, 16)] = acc
            return _

        lax.fori_loop(0, _STEPS, combine, None)
        pltpu.sync_copy(out_v, out_hbm.at[pl.ds(n0, _CH)])
        return _

    lax.fori_loop(0, _NCHUNK, chunk, None)


@jax.jit
def _run(flat, coef):
    mesh = plsc.VectorSubcoreMesh(core_axis_name="c", subcore_axis_name="s")
    f = pl.kernel(
        _sc_body,
        out_type=jax.ShapeDtypeStruct((_TOT,), jnp.float32),
        mesh=mesh,
        scratch_types=[
            pltpu.VMEM((8 * _CH,), jnp.int32),
            pltpu.VMEM((8 * _CH,), jnp.float32),
            pltpu.VMEM((11, _CH), jnp.float32),
            pltpu.VMEM((_CH,), jnp.float32),
            pltpu.VMEM((16,), jnp.float32),
            pltpu.VMEM((16,), jnp.int32),
            pltpu.VMEM((16,), jnp.float32),
            pltpu.SemaphoreType.DMA,
        ],
    )
    return f(flat, coef)


def kernel(images, transform_parameters):
    B, H, W, D, C = images.shape
    flat = images.reshape(-1)
    vol = images.reshape(B, H, W, D)
    faces = jnp.stack([
        vol[:, :, :, 0], vol[:, :, :, 127],
        vol[:, :, 0, :], vol[:, :, 127, :],
        vol[:, 0, :, :], vol[:, 127, :, :],
    ], axis=1)
    faces_rep = jnp.broadcast_to(faces.reshape(1, B * 6 * 16384),
                                 (_REP, B * 6 * 16384)).reshape(-1)
    big = jnp.concatenate([flat, faces_rep])
    T = transform_parameters.reshape(B, 12)
    Tb = T.astype(jnp.bfloat16).astype(jnp.float32)
    coef = jnp.concatenate([Tb, jnp.zeros((B, 4), jnp.float32)], axis=1).reshape(-1)
    out = _run(big, coef)
    return out.reshape(B, _R, _R, _R, 1)

# --- scband reference (transcript-rebuilt; emitter-appended) ---
"""Pipeline reference for scband-spatial-transformer3-d-26792005992775 (READ-ONLY COPY).

The authoritative reference and input builder live on the scoring server;
editing this copy changes nothing except your own understanding.
"""

import jax, jax.numpy as jnp
import numpy as np

RESAMPLED = (128, 128, 128)


def setup_inputs(seed: int = 0) -> dict:
    key = jax.random.key(seed)
    k1, k2 = jax.random.split(key)
    images = jax.random.normal(k1, (2, 128, 128, 128, 1), dtype=jnp.float32)
    transform_parameters = jax.random.normal(k2, (2, 12), dtype=jnp.float32)
    return {"images": images, "transform_parameters": transform_parameters}


def reference(images, transform_parameters):
    r0, r1, r2 = RESAMPLED
    B, H, W, D, C = images.shape
    N = r0 * r1 * r2
    T = transform_parameters.reshape(B, 3, 4)
    # regular grid (matches tf.meshgrid default 'xy' indexing)
    xl = jnp.linspace(-1.0, 1.0, r1, dtype=jnp.float32)
    yl = jnp.linspace(-1.0, 1.0, r0, dtype=jnp.float32)
    zl = jnp.linspace(-1.0, 1.0, r2, dtype=jnp.float32)
    xc, yc, zc = jnp.meshgrid(xl, yl, zl)  # indexing='xy' default, same as TF
    grid = jnp.concatenate([
        xc.reshape(-1), yc.reshape(-1), zc.reshape(-1),
        jnp.ones((N,), dtype=jnp.float32)
    ], axis=0).reshape(4, N)
    sampled = jnp.dot(T, grid)  # (B, 3, N)
    x = sampled[:, 0, :].reshape(-1)
    y = sampled[:, 1, :].reshape(-1)
    z = sampled[:, 2, :].reshape(-1)
    x = 0.5 * (x + 1.0) * jnp.float32(W)
    y = 0.5 * (y + 1.0) * jnp.float32(H)
    z = 0.5 * (z + 1.0) * jnp.float32(D)
    x0 = x.astype(jnp.int32); x1 = x0 + 1
    y0 = y.astype(jnp.int32); y1 = y0 + 1
    z0 = z.astype(jnp.int32); z1 = z0 + 1
    x0 = jnp.clip(x0, 0, W - 1); x1 = jnp.clip(x1, 0, W - 1)
    y0 = jnp.clip(y0, 0, H - 1); y1 = jnp.clip(y1, 0, H - 1)
    z0 = jnp.clip(z0, 0, D - 1); z1 = jnp.clip(z1, 0, D - 1)
    base = jnp.repeat(jnp.arange(B, dtype=jnp.int32) * (H * W * D), N)
    WH = W * H
    i000 = base + z0 * WH + y0 * W + x0
    i001 = base + z1 * WH + y0 * W + x0
    i010 = base + z0 * WH + y1 * W + x0
    i011 = base + z1 * WH + y1 * W + x0
    i100 = base + z0 * WH + y0 * W + x1
    i101 = base + z1 * WH + y0 * W + x1
    i110 = base + z0 * WH + y1 * W + x1
    i111 = base + z1 * WH + y1 * W + x1
    flat = images.reshape(-1, C).astype(jnp.float32)
    p000 = jnp.take(flat, i000, axis=0)
    p001 = jnp.take(flat, i001, axis=0)
    p010 = jnp.take(flat, i010, axis=0)
    p011 = jnp.take(flat, i011, axis=0)
    p100 = jnp.take(flat, i100, axis=0)
    p101 = jnp.take(flat, i101, axis=0)
    p110 = jnp.take(flat, i110, axis=0)
    p111 = jnp.take(flat, i111, axis=0)
    x0f = x0.astype(jnp.float32); x1f = x1.astype(jnp.float32)
    y0f = y0.astype(jnp.float32); y1f = y1.astype(jnp.float32)
    z0f = z0.astype(jnp.float32); z1f = z1.astype(jnp.float32)
    w000 = ((x1f - x) * (y1f - y) * (z1f - z))[:, None]
    w001 = ((x1f - x) * (y1f - y) * (z - z0f))[:, None]
    w010 = ((x1f - x) * (y - y0f) * (z1f - z))[:, None]
    w011 = ((x1f - x) * (y - y0f) * (z - z0f))[:, None]
    w100 = ((x - x0f) * (y1f - y) * (z1f - z))[:, None]
    w101 = ((x - x0f) * (y1f - y) * (z - z0f))[:, None]
    w110 = ((x - x0f) * (y - y0f) * (z1f - z))[:, None]
    w111 = ((x - x0f) * (y - y0f) * (z - z0f))[:, None]
    out = (w000 * p000 + w001 * p001 + w010 * p010 + w011 * p011 +
           w100 * p100 + w101 * p101 + w110 * p110 + w111 * p111)
    return out.reshape(B, r0, r1, r2, C)

if __name__ == "__main__":
    import jax
    _d = setup_inputs()
    print(jax.jit(kernel)(*tuple(_d.values())))

</pallas_src>

<mosaic_0001>
#map = affine_map<(d0, d1) -> (0)>
module attributes {stable_mosaic.version = 14 : i64} {
  func.func @_sc_body(%arg0: i32, %arg1: i32, %arg2: memref<16777216xf32, #tpu.memory_space<hbm>>, %arg3: memref<32xf32, #tpu.memory_space<hbm>>, %arg4: memref<4194304xf32, #tpu.memory_space<hbm>>, %arg5: memref<8192xi32, #tpu.memory_space<vmem>>, %arg6: memref<8192xf32, #tpu.memory_space<vmem>>, %arg7: memref<11x1024xf32, #tpu.memory_space<vmem>>, %arg8: memref<1024xf32, #tpu.memory_space<vmem>>, %arg9: memref<16xf32, #tpu.memory_space<vmem>>, %arg10: memref<16xi32, #tpu.memory_space<vmem>>, %arg11: memref<16xf32, #tpu.memory_space<vmem>>, %arg12: memref<!tpu.dma_semaphore, #tpu.memory_space<semaphore_mem>>) attributes {dimension_semantics = [#tpu.dimension_semantics<core_parallel>, #tpu.dimension_semantics<subcore_parallel>], iteration_bounds = array<i64: 2, 16>, scalar_prefetch = 0 : i64, scratch_operands = 8 : i64, tpu.core_type = #tpu.core_type<sc_vector_subcore>, window_params = [{transform_indices = #map}, {transform_indices = #map}, {transform_indices = #map}]} {
    %mul3A = arith.constant 2 : i32
    %mul3A_0 = arith.muli %arg1, %mul3A : i32
    %add3A = arith.addi %mul3A_0, %arg0 : i32
    %jit3A = arith.constant 16 : i32
    %div3A = arith.divsi %add3A, %jit3A : i32
    %sign3A = arith.constant 0 : i32
    %sign3A_1 = arith.cmpi sgt, %add3A, %sign3A : i32
    %sign3A_2 = arith.extui %sign3A_1 : i1 to i32
    %sign3A_3 = arith.constant 0 : i32
    %sign3A_4 = arith.cmpi slt, %add3A, %sign3A_3 : i32
    %sign3A_5 = arith.extui %sign3A_4 : i1 to i32
    %sign3A_6 = arith.subi %sign3A_2, %sign3A_5 : i32
    %sign3A_7 = arith.constant 0 : i32
    %sign3A_8 = arith.cmpi sgt, %jit3A, %sign3A_7 : i32
    %sign3A_9 = arith.extui %sign3A_8 : i1 to i32
    %sign3A_10 = arith.constant 0 : i32
    %sign3A_11 = arith.cmpi slt, %jit3A, %sign3A_10 : i32
    %sign3A_12 = arith.extui %sign3A_11 : i1 to i32
    %sign3A_13 = arith.subi %sign3A_9, %sign3A_12 : i32
    %ne3A = arith.cmpi ne, %sign3A_6, %sign3A_13 : i32
    %rem3A = arith.remsi %add3A, %jit3A : i32
    %ne3A_14 = arith.constant 0 : i32
    %ne3A_15 = arith.cmpi ne, %rem3A, %ne3A_14 : i32
    %and3A = arith.andi %ne3A, %ne3A_15 : i1
    %sub3A = arith.constant 1 : i32
    %sub3A_16 = arith.subi %div3A, %sub3A : i32
    %select_n3A = arith.select %and3A, %sub3A_16, %div3A : i32
    %mul3A_17 = arith.constant 131072 : i32
    %mul3A_18 = arith.muli %add3A, %mul3A_17 : i32
    %mul3A_19 = arith.constant 16 : i32
    %mul3A_20 = arith.muli %select_n3A, %mul3A_19 : i32
    "tpu.region"() ({
      %run_scoped3A = tpu.sem_alloc : memref<!tpu.dma_semaphore, #tpu.memory_space<semaphore_mem>>
      %dma_start3A_105 = tpu.memref_slice %arg3[%mul3A_20] : memref<32xf32, #tpu.memory_space<hbm>> -> memref<16xf32, #tpu.memory_space<hbm>>
      %dma_start3A_106 = tpu.memref_slice %arg3[%mul3A_20] : memref<32xf32, #tpu.memory_space<hbm>> -> memref<16xf32, #tpu.memory_space<hbm>>
      tpu.enqueue_dma source(%dma_start3A_106 : memref<16xf32, #tpu.memory_space<hbm>>) target(%arg9 : memref<16xf32, #tpu.memory_space<vmem>>) target_semaphore(%run_scoped3A : memref<!tpu.dma_semaphore, #tpu.memory_space<semaphore_mem>>)
      %dma_wait3A_107 = tpu.memref_slice %arg3[%mul3A_20] : memref<32xf32, #tpu.memory_space<hbm>> -> memref<16xf32, #tpu.memory_space<hbm>>
      %dma_wait3A_108 = tpu.memref_slice %arg3[%mul3A_20] : memref<32xf32, #tpu.memory_space<hbm>> -> memref<16xf32, #tpu.memory_space<hbm>>
      tpu.wait_dma2 semaphore(%run_scoped3A : memref<!tpu.dma_semaphore, #tpu.memory_space<semaphore_mem>>) src(%dma_wait3A_108 : memref<16xf32, #tpu.memory_space<hbm>>) dst(%arg9 : memref<16xf32, #tpu.memory_space<vmem>>)
      tpu.yield
    }) : () -> ()
    %iota3A = tpu.iota {dimensions = array<i32: 0>} : vector<16xi32>
    %get3A = arith.constant 0 : index
    %get3A_21 = tpu.vector_load %arg9[%get3A] {strides = array<i32>} : memref<16xf32, #tpu.memory_space<vmem>>, vector<16xf32>,
    %get3A_22 = vector.shape_cast %get3A_21 : vector<16xf32> to vector<16xf32>
    %slice3A = vector.extract_strided_slice %get3A_22 {offsets = [0], sizes = [1], strides = [1]} : vector<16xf32> to vector<1xf32>
    %squeeze3A = vector.extract %slice3A[0] : f32 from vector<1xf32>
    %slice3A_23 = vector.extract_strided_slice %get3A_22 {offsets = [1], sizes = [1], strides = [1]} : vector<16xf32> to vector<1xf32>
    %squeeze3A_24 = vector.extract %slice3A_23[0] : f32 from vector<1xf32>
    %slice3A_25 = vector.extract_strided_slice %get3A_22 {offsets = [2], sizes = [1], strides = [1]} : vector<16xf32> to vector<1xf32>
    %squeeze3A_26 = vector.extract %slice3A_25[0] : f32 from vector<1xf32>
    %slice3A_27 = vector.extract_strided_slice %get3A_22 {offsets = [3], sizes = [1], strides = [1]} : vector<16xf32> to vector<1xf32>
    %squeeze3A_28 = vector.extract %slice3A_27[0] : f32 from vector<1xf32>
    %slice3A_29 = vector.extract_strided_slice %get3A_22 {offsets = [4], sizes = [1], strides = [1]} : vector<16xf32> to vector<1xf32>
    %squeeze3A_30 = vector.extract %slice3A_29[0] : f32 from vector<1xf32>
    %slice3A_31 = vector.extract_strided_slice %get3A_22 {offsets = [5], sizes = [1], strides = [1]} : vector<16xf32> to vector<1xf32>
    %squeeze3A_32 = vector.extract %slice3A_31[0] : f32 from vector<1xf32>
    %slice3A_33 = vector.extract_strided_slice %get3A_22 {offsets = [6], sizes = [1], strides = [1]} : vector<16xf32> to vector<1xf32>
    %squeeze3A_34 = vector.extract %slice3A_33[0] : f32 from vector<1xf32>
    %slice3A_35 = vector.extract_strided_slice %get3A_22 {offsets = [7], sizes = [1], strides = [1]} : vector<16xf32> to vector<1xf32>
    %squeeze3A_36 = vector.extract %slice3A_35[0] : f32 from vector<1xf32>
    %slice3A_37 = vector.extract_strided_slice %get3A_22 {offsets = [8], sizes = [1], strides = [1]} : vector<16xf32> to vector<1xf32>
    %squeeze3A_38 = vector.extract %slice3A_37[0] : f32 from vector<1xf32>
    %slice3A_39 = vector.extract_strided_slice %get3A_22 {offsets = [9], sizes = [1], strides = [1]} : vector<16xf32> to vector<1xf32>
    %squeeze3A_40 = vector.extract %slice3A_39[0] : f32 from vector<1xf32>
    %slice3A_41 = vector.extract_strided_slice %get3A_22 {offsets = [10], sizes = [1], strides = [1]} : vector<16xf32> to vector<1xf32>
    %squeeze3A_42 = vector.extract %slice3A_41[0] : f32 from vector<1xf32>
    %slice3A_43 = vector.extract_strided_slice %get3A_22 {offsets = [11], sizes = [1], strides = [1]} : vector<16xf32> to vector<1xf32>
    %squeeze3A_44 = vector.extract %slice3A_43[0] : f32 from vector<1xf32>
    %mul3A_45 = arith.constant 2097152 : i32
    %mul3A_46 = arith.muli %select_n3A, %mul3A_45 : i32
    %and3A_47 = arith.constant 1 : i32
    %and3A_48 = vector.broadcast %and3A_47 : i32 to vector<16xi32>
    %and3A_49 = arith.andi %iota3A, %and3A_48 : vector<16xi32>
    %shift_right_logical3A = arith.constant 1 : i32
    %shift_right_logical3A_50 = vector.broadcast %shift_right_logical3A : i32 to vector<16xi32>
    %shift_right_logical3A_51 = arith.shrui %iota3A, %shift_right_logical3A_50 : vector<16xi32>
    %and3A_52 = arith.constant 1 : i32
    %and3A_53 = vector.broadcast %and3A_52 : i32 to vector<16xi32>
    %and3A_54 = arith.andi %shift_right_logical3A_51, %and3A_53 : vector<16xi32>
    %shift_right_logical3A_55 = arith.constant 2 : i32
    %shift_right_logical3A_56 = vector.broadcast %shift_right_logical3A_55 : i32 to vector<16xi32>
    %shift_right_logical3A_57 = arith.shrui %iota3A, %shift_right_logical3A_56 : vector<16xi32>
    %and3A_58 = arith.constant 1 : i32
    %and3A_59 = vector.broadcast %and3A_58 : i32 to vector<16xi32>
    %and3A_60 = arith.andi %shift_right_logical3A_57, %and3A_59 : vector<16xi32>
    %mul3A_61 = arith.constant 127 : i32
    %mul3A_62 = vector.broadcast %mul3A_61 : i32 to vector<16xi32>
    %mul3A_63 = arith.muli %and3A_49, %mul3A_62 : vector<16xi32>
    %add3A_64 = vector.broadcast %mul3A_46 : i32 to vector<16xi32>
    %add3A_65 = arith.addi %add3A_64, %mul3A_63 : vector<16xi32>
    %mul3A_66 = arith.constant 16256 : i32
    %mul3A_67 = vector.broadcast %mul3A_66 : i32 to vector<16xi32>
    %mul3A_68 = arith.muli %and3A_54, %mul3A_67 : vector<16xi32>
    %add3A_69 = arith.addi %add3A_65, %mul3A_68 : vector<16xi32>
    %mul3A_70 = arith.constant 2080768 : i32
    %mul3A_71 = vector.broadcast %mul3A_70 : i32 to vector<16xi32>
    %mul3A_72 = arith.muli %and3A_60, %mul3A_71 : vector<16xi32>
    %add3A_73 = arith.addi %add3A_69, %mul3A_72 : vector<16xi32>
    %swap3A = arith.constant 0 : index
    %swap3A_74 = tpu.vector_load %arg10[%swap3A] {strides = array<i32>} : memref<16xi32, #tpu.memory_space<vmem>>, vector<16xi32>,
    %swap3A_75 = vector.shape_cast %swap3A_74 : vector<16xi32> to vector<16xi32>
    %swap3A_76 = vector.shape_cast %add3A_73 : vector<16xi32> to vector<16xi32>
    tpu.vector_store %arg10[%swap3A], %swap3A_76 {strides = array<i32>} : memref<16xi32, #tpu.memory_space<vmem>>, vector<16xi32>,
    %dma_start3A = arith.constant 0 : i32
    %dma_start3A_77 = tpu.memref_slice %arg2[%dma_start3A] : memref<16777216xf32, #tpu.memory_space<hbm>> -> memref<16777216xf32, #tpu.memory_space<hbm>>
    tpu.enqueue_indirect_dma source(%dma_start3A_77 : memref<16777216xf32, #tpu.memory_space<hbm>>) target(%arg11 : memref<16xf32, #tpu.memory_space<vmem>>) offsets(%arg10 : memref<16xi32, #tpu.memory_space<vmem>>) semaphore(%arg12 : memref<!tpu.dma_semaphore, #tpu.memory_space<semaphore_mem>>)
    %dma_wait3A = arith.constant 0 : i32
    %dma_wait3A_78 = tpu.memref_slice %arg2[%dma_wait3A] : memref<16777216xf32, #tpu.memory_space<hbm>> -> memref<16777216xf32, #tpu.memory_space<hbm>>
    tpu.wait_indirect_dma semaphore(%arg12 : memref<!tpu.dma_semaphore, #tpu.memory_space<semaphore_mem>>) src(%dma_wait3A_78 : memref<16777216xf32, #tpu.memory_space<hbm>>) dst(%arg11 : memref<16xf32, #tpu.memory_space<vmem>>)
    %get3A_79 = arith.constant 0 : index
    %get3A_80 = tpu.vector_load %arg11[%get3A_79] {strides = array<i32>} : memref<16xf32, #tpu.memory_space<vmem>>, vector<16xf32>,
    %get3A_81 = vector.shape_cast %get3A_80 : vector<16xf32> to vector<16xf32>
    %slice3A_82 = vector.extract_strided_slice %get3A_81 {offsets = [0], sizes = [1], strides = [1]} : vector<16xf32> to vector<1xf32>
    %squeeze3A_83 = vector.extract %slice3A_82[0] : f32 from vector<1xf32>
    %slice3A_84 = vector.extract_strided_slice %get3A_81 {offsets = [1], sizes = [1], strides = [1]} : vector<16xf32> to vector<1xf32>
    %squeeze3A_85 = vector.extract %slice3A_84[0] : f32 from vector<1xf32>
    %slice3A_86 = vector.extract_strided_slice %get3A_81 {offsets = [2], sizes = [1], strides = [1]} : vector<16xf32> to vector<1xf32>
    %squeeze3A_87 = vector.extract %slice3A_86[0] : f32 from vector<1xf32>
    %slice3A_88 = vector.extract_strided_slice %get3A_81 {offsets = [3], sizes = [1], strides = [1]} : vector<16xf32> to vector<1xf32>
    %squeeze3A_89 = vector.extract %slice3A_88[0] : f32 from vector<1xf32>
    %slice3A_90 = vector.extract_strided_slice %get3A_81 {offsets = [4], sizes = [1], strides = [1]} : vector<16xf32> to vector<1xf32>
    %squeeze3A_91 = vector.extract %slice3A_90[0] : f32 from vector<1xf32>
    %slice3A_92 = vector.extract_strided_slice %get3A_81 {offsets = [5], sizes = [1], strides = [1]} : vector<16xf32> to vector<1xf32>
    %squeeze3A_93 = vector.extract %slice3A_92[0] : f32 from vector<1xf32>
    %slice3A_94 = vector.extract_strided_slice %get3A_81 {offsets = [6], sizes = [1], strides = [1]} : vector<16xf32> to vector<1xf32>
    %squeeze3A_95 = vector.extract %slice3A_94[0] : f32 from vector<1xf32>
    %slice3A_96 = vector.extract_strided_slice %get3A_81 {offsets = [7], sizes = [1], strides = [1]} : vector<16xf32> to vector<1xf32>
    %squeeze3A_97 = vector.extract %slice3A_96[0] : f32 from vector<1xf32>
    %scan3A = arith.constant 1.000000e+00 : f32
    %scan3A_98 = arith.constant 5.000000e-01 : f32
    %scan3A_99 = arith.constant 1.280000e+02 : f32
    %scan3A_100 = arith.constant 0 : i32
    %scan3A_101 = arith.constant 128 : i32
    %scan3A_102 = arith.addi %scan3A_100, %scan3A_101 : i32
    %scan3A_103 = arith.constant 1 : i32
    scf.for %scan3A_105 = %scan3A_100 to %scan3A_102 step %scan3A_103  : i32 {
      %mul3A_106 = arith.constant 1024 : i32
      %mul3A_107 = arith.muli %scan3A_105, %mul3A_106 : i32
      %add3A_108 = arith.addi %mul3A_18, %mul3A_107 : i32
      %scan3A_109 = arith.constant 0 : i32
      %scan3A_110 = arith.constant 64 : i32
      %scan3A_111 = arith.addi %scan3A_109, %scan3A_110 : i32
      %scan3A_112 = arith.constant 1 : i32
      scf.for %scan3A_123 = %scan3A_109 to %scan3A_111 step %scan3A_112  : i32 {
        %mul3A_124 = arith.constant 16 : i32
        %mul3A_125 = arith.muli %scan3A_123, %mul3A_124 : i32
        %add3A_126 = arith.addi %add3A_108, %mul3A_125 : i32
        %add3A_127 = vector.broadcast %add3A_126 : i32 to vector<16xi32>
        %add3A_128 = arith.addi %add3A_127, %iota3A : vector<16xi32>
        %and3A_129 = arith.constant 127 : i32
        %and3A_130 = vector.broadcast %and3A_129 : i32 to vector<16xi32>
        %and3A_131 = arith.andi %add3A_128, %and3A_130 : vector<16xi32>
        %shift_right_logical3A_132 = arith.constant 7 : i32
        %shift_right_logical3A_133 = vector.broadcast %shift_right_logical3A_132 : i32 to vector<16xi32>
        %shift_right_logical3A_134 = arith.shrui %add3A_128, %shift_right_logical3A_133 : vector<16xi32>
        %and3A_135 = arith.constant 127 : i32
        %and3A_136 = vector.broadcast %and3A_135 : i32 to vector<16xi32>
        %and3A_137 = arith.andi %shift_right_logical3A_134, %and3A_136 : vector<16xi32>
        %shift_right_logical3A_138 = arith.constant 14 : i32
        %shift_right_logical3A_139 = vector.broadcast %shift_right_logical3A_138 : i32 to vector<16xi32>
        %shift_right_logical3A_140 = arith.shrui %add3A_128, %shift_right_logical3A_139 : vector<16xi32>
        %and3A_141 = arith.constant 127 : i32
        %and3A_142 = vector.broadcast %and3A_141 : i32 to vector<16xi32>
        %and3A_143 = arith.andi %shift_right_logical3A_140, %and3A_142 : vector<16xi32>
        %convert_element_type3A = arith.sitofp %and3A_137 : vector<16xi32> to vector<16xf32>
        %mul3A_144 = arith.constant 0.0157480314 : f32
        %mul3A_145 = vector.broadcast %mul3A_144 : f32 to vector<16xf32>
        %mul3A_146 = arith.mulf %convert_element_type3A, %mul3A_145 : vector<16xf32>
        %sub3A_147 = vector.broadcast %scan3A : f32 to vector<16xf32>
        %sub3A_148 = arith.subf %mul3A_146, %sub3A_147 : vector<16xf32>
        %mul3A_149 = arith.constant 6.553700e+04 : f32
        %mul3A_150 = vector.broadcast %mul3A_149 : f32 to vector<16xf32>
        %mul3A_151 = arith.mulf %sub3A_148, %mul3A_150 : vector<16xf32>
        %sub3A_152 = arith.subf %mul3A_151, %sub3A_148 : vector<16xf32>
        %sub3A_153 = arith.subf %mul3A_151, %sub3A_152 : vector<16xf32>
        %convert_element_type3A_154 = arith.sitofp %and3A_143 : vector<16xi32> to vector<16xf32>
        %mul3A_155 = arith.constant 0.0157480314 : f32
        %mul3A_156 = vector.broadcast %mul3A_155 : f32 to vector<16xf32>
        %mul3A_157 = arith.mulf %convert_element_type3A_154, %mul3A_156 : vector<16xf32>
        %sub3A_158 = vector.broadcast %scan3A : f32 to vector<16xf32>
        %sub3A_159 = arith.subf %mul3A_157, %sub3A_158 : vector<16xf32>
        %mul3A_160 = arith.constant 6.553700e+04 : f32
        %mul3A_161 = vector.broadcast %mul3A_160 : f32 to vector<16xf32>
        %mul3A_162 = arith.mulf %sub3A_159, %mul3A_161 : vector<16xf32>
        %sub3A_163 = arith.subf %mul3A_162, %sub3A_159 : vector<16xf32>
        %sub3A_164 = arith.subf %mul3A_162, %sub3A_163 : vector<16xf32>
        %convert_element_type3A_165 = arith.sitofp %and3A_131 : vector<16xi32> to vector<16xf32>
        %mul3A_166 = arith.constant 0.0157480314 : f32
        %mul3A_167 = vector.broadcast %mul3A_166 : f32 to vector<16xf32>
        %mul3A_168 = arith.mulf %convert_element_type3A_165, %mul3A_167 : vector<16xf32>
        %sub3A_169 = vector.broadcast %scan3A : f32 to vector<16xf32>
        %sub3A_170 = arith.subf %mul3A_168, %sub3A_169 : vector<16xf32>
        %mul3A_171 = arith.constant 6.553700e+04 : f32
        %mul3A_172 = vector.broadcast %mul3A_171 : f32 to vector<16xf32>
        %mul3A_173 = arith.mulf %sub3A_170, %mul3A_172 : vector<16xf32>
        %sub3A_174 = arith.subf %mul3A_173, %sub3A_170 : vector<16xf32>
        %sub3A_175 = arith.subf %mul3A_173, %sub3A_174 : vector<16xf32>
        %mul3A_176 = vector.broadcast %squeeze3A : f32 to vector<16xf32>
        %mul3A_177 = arith.mulf %mul3A_176, %sub3A_153 : vector<16xf32>
        %add3A_178 = vector.broadcast %squeeze3A_28 : f32 to vector<16xf32>
        %add3A_179 = arith.addf %mul3A_177, %add3A_178 : vector<16xf32>
        %mul3A_180 = vector.broadcast %squeeze3A_24 : f32 to vector<16xf32>
        %mul3A_181 = arith.mulf %mul3A_180, %sub3A_164 : vector<16xf32>
        %mul3A_182 = vector.broadcast %squeeze3A_26 : f32 to vector<16xf32>
        %mul3A_183 = arith.mulf %mul3A_182, %sub3A_175 : vector<16xf32>
        %add3A_184 = arith.addf %mul3A_181, %mul3A_183 : vector<16xf32>
        %add3A_185 = arith.addf %add3A_179, %add3A_184 : vector<16xf32>
        %mul3A_186 = vector.broadcast %squeeze3A_30 : f32 to vector<16xf32>
        %mul3A_187 = arith.mulf %mul3A_186, %sub3A_153 : vector<16xf32>
        %add3A_188 = vector.broadcast %squeeze3A_36 : f32 to vector<16xf32>
        %add3A_189 = arith.addf %mul3A_187, %add3A_188 : vector<16xf32>
        %mul3A_190 = vector.broadcast %squeeze3A_32 : f32 to vector<16xf32>
        %mul3A_191 = arith.mulf %mul3A_190, %sub3A_164 : vector<16xf32>
        %mul3A_192 = vector.broadcast %squeeze3A_34 : f32 to vector<16xf32>
        %mul3A_193 = arith.mulf %mul3A_192, %sub3A_175 : vector<16xf32>
        %add3A_194 = arith.addf %mul3A_191, %mul3A_193 : vector<16xf32>
        %add3A_195 = arith.addf %add3A_189, %add3A_194 : vector<16xf32>
        %mul3A_196 = vector.broadcast %squeeze3A_38 : f32 to vector<16xf32>
        %mul3A_197 = arith.mulf %mul3A_196, %sub3A_153 : vector<16xf32>
        %add3A_198 = vector.broadcast %squeeze3A_44 : f32 to vector<16xf32>
        %add3A_199 = arith.addf %mul3A_197, %add3A_198 : vector<16xf32>
        %mul3A_200 = vector.broadcast %squeeze3A_40 : f32 to vector<16xf32>
        %mul3A_201 = arith.mulf %mul3A_200, %sub3A_164 : vector<16xf32>
        %mul3A_202 = vector.broadcast %squeeze3A_42 : f32 to vector<16xf32>
        %mul3A_203 = arith.mulf %mul3A_202, %sub3A_175 : vector<16xf32>
        %add3A_204 = arith.addf %mul3A_201, %mul3A_203 : vector<16xf32>
        %add3A_205 = arith.addf %add3A_199, %add3A_204 : vector<16xf32>
        %add3A_206 = vector.broadcast %scan3A : f32 to vector<16xf32>
        %add3A_207 = arith.addf %add3A_185, %add3A_206 : vector<16xf32>
        %mul3A_208 = vector.broadcast %scan3A_98 : f32 to vector<16xf32>
        %mul3A_209 = arith.mulf %mul3A_208, %add3A_207 : vector<16xf32>
        %mul3A_210 = vector.broadcast %scan3A_99 : f32 to vector<16xf32>
        %mul3A_211 = arith.mulf %mul3A_209, %mul3A_210 : vector<16xf32>
        %add3A_212 = vector.broadcast %scan3A : f32 to vector<16xf32>
        %add3A_213 = arith.addf %add3A_195, %add3A_212 : vector<16xf32>
        %mul3A_214 = vector.broadcast %scan3A_98 : f32 to vector<16xf32>
        %mul3A_215 = arith.mulf %mul3A_214, %add3A_213 : vector<16xf32>
        %mul3A_216 = vector.broadcast %scan3A_99 : f32 to vector<16xf32>
        %mul3A_217 = arith.mulf %mul3A_215, %mul3A_216 : vector<16xf32>
        %add3A_218 = vector.broadcast %scan3A : f32 to vector<16xf32>
        %add3A_219 = arith.addf %add3A_205, %add3A_218 : vector<16xf32>
        %mul3A_220 = vector.broadcast %scan3A_98 : f32 to vector<16xf32>
        %mul3A_221 = arith.mulf %mul3A_220, %add3A_219 : vector<16xf32>
        %mul3A_222 = vector.broadcast %scan3A_99 : f32 to vector<16xf32>
        %mul3A_223 = arith.mulf %mul3A_221, %mul3A_222 : vector<16xf32>
        %convert_element_type3A_224 = arith.fptosi %mul3A_211 : vector<16xf32> to vector<16xi32>
        %max3A = arith.constant 0 : i32
        %max3A_225 = vector.broadcast %max3A : i32 to vector<16xi32>
        %max3A_226 = arith.maxsi %convert_element_type3A_224, %max3A_225 : vector<16xi32>
        %min3A = arith.constant 127 : i32
        %min3A_227 = vector.broadcast %min3A : i32 to vector<16xi32>
        %min3A_228 = arith.minsi %max3A_226, %min3A_227 : vector<16xi32>
        %add3A_229 = arith.constant 1 : i32
        %add3A_230 = vector.broadcast %add3A_229 : i32 to vector<16xi32>
        %add3A_231 = arith.addi %convert_element_type3A_224, %add3A_230 : vector<16xi32>
        %max3A_232 = arith.constant 0 : i32
        %max3A_233 = vector.broadcast %max3A_232 : i32 to vector<16xi32>
        %max3A_234 = arith.maxsi %add3A_231, %max3A_233 : vector<16xi32>
        %min3A_235 = arith.constant 127 : i32
        %min3A_236 = vector.broadcast %min3A_235 : i32 to vector<16xi32>
        %min3A_237 = arith.minsi %max3A_234, %min3A_236 : vector<16xi32>
        %convert_element_type3A_238 = arith.sitofp %min3A_228 : vector<16xi32> to vector<16xf32>
        %convert_element_type3A_239 = arith.sitofp %min3A_237 : vector<16xi32> to vector<16xf32>
        %sub3A_240 = arith.subi %min3A_237, %min3A_228 : vector<16xi32>
        %sub3A_241 = arith.subf %convert_element_type3A_239, %mul3A_211 : vector<16xf32>
        %sub3A_242 = arith.subf %mul3A_211, %convert_element_type3A_238 : vector<16xf32>
        %convert_element_type3A_243 = arith.fptosi %mul3A_217 : vector<16xf32> to vector<16xi32>
        %max3A_244 = arith.constant 0 : i32
        %max3A_245 = vector.broadcast %max3A_244 : i32 to vector<16xi32>
        %max3A_246 = arith.maxsi %convert_element_type3A_243, %max3A_245 : vector<16xi32>
        %min3A_247 = arith.constant 127 : i32
        %min3A_248 = vector.broadcast %min3A_247 : i32 to vector<16xi32>
        %min3A_249 = arith.minsi %max3A_246, %min3A_248 : vector<16xi32>
        %add3A_250 = arith.constant 1 : i32
        %add3A_251 = vector.broadcast %add3A_250 : i32 to vector<16xi32>
        %add3A_252 = arith.addi %convert_element_type3A_243, %add3A_251 : vector<16xi32>
        %max3A_253 = arith.constant 0 : i32
        %max3A_254 = vector.broadcast %max3A_253 : i32 to vector<16xi32>
        %max3A_255 = arith.maxsi %add3A_252, %max3A_254 : vector<16xi32>
        %min3A_256 = arith.constant 127 : i32
        %min3A_257 = vector.broadcast %min3A_256 : i32 to vector<16xi32>
        %min3A_258 = arith.minsi %max3A_255, %min3A_257 : vector<16xi32>
        %convert_element_type3A_259 = arith.sitofp %min3A_249 : vector<16xi32> to vector<16xf32>
        %convert_element_type3A_260 = arith.sitofp %min3A_258 : vector<16xi32> to vector<16xf32>
        %sub3A_261 = arith.subi %min3A_258, %min3A_249 : vector<16xi32>
        %sub3A_262 = arith.subf %convert_element_type3A_260, %mul3A_217 : vector<16xf32>
        %sub3A_263 = arith.subf %mul3A_217, %convert_element_type3A_259 : vector<16xf32>
        %convert_element_type3A_264 = arith.fptosi %mul3A_223 : vector<16xf32> to vector<16xi32>
        %max3A_265 = arith.constant 0 : i32
        %max3A_266 = vector.broadcast %max3A_265 : i32 to vector<16xi32>
        %max3A_267 = arith.maxsi %convert_element_type3A_264, %max3A_266 : vector<16xi32>
        %min3A_268 = arith.constant 127 : i32
        %min3A_269 = vector.broadcast %min3A_268 : i32 to vector<16xi32>
        %min3A_270 = arith.minsi %max3A_267, %min3A_269 : vector<16xi32>
        %add3A_271 = arith.constant 1 : i32
        %add3A_272 = vector.broadcast %add3A_271 : i32 to vector<16xi32>
        %add3A_273 = arith.addi %convert_element_type3A_264, %add3A_272 : vector<16xi32>
        %max3A_274 = arith.constant 0 : i32
        %max3A_275 = vector.broadcast %max3A_274 : i32 to vector<16xi32>
        %max3A_276 = arith.maxsi %add3A_273, %max3A_275 : vector<16xi32>
        %min3A_277 = arith.constant 127 : i32
        %min3A_278 = vector.broadcast %min3A_277 : i32 to vector<16xi32>
        %min3A_279 = arith.minsi %max3A_276, %min3A_278 : vector<16xi32>
        %convert_element_type3A_280 = arith.sitofp %min3A_270 : vector<16xi32> to vector<16xf32>
        %convert_element_type3A_281 = arith.sitofp %min3A_279 : vector<16xi32> to vector<16xf32>
        %sub3A_282 = arith.subi %min3A_279, %min3A_270 : vector<16xi32>
        %sub3A_283 = arith.subf %convert_element_type3A_281, %mul3A_223 : vector<16xf32>
        %sub3A_284 = arith.subf %mul3A_223, %convert_element_type3A_280 : vector<16xf32>
        %shift_left3A = arith.constant 14 : i32
        %shift_left3A_285 = vector.broadcast %shift_left3A : i32 to vector<16xi32>
        %shift_left3A_286 = arith.shli %min3A_270, %shift_left3A_285 : vector<16xi32>
        %add3A_287 = vector.broadcast %mul3A_46 : i32 to vector<16xi32>
        %add3A_288 = arith.addi %add3A_287, %shift_left3A_286 : vector<16xi32>
        %shift_left3A_289 = arith.constant 7 : i32
        %shift_left3A_290 = vector.broadcast %shift_left3A_289 : i32 to vector<16xi32>
        %shift_left3A_291 = arith.shli %min3A_249, %shift_left3A_290 : vector<16xi32>
        %add3A_292 = arith.addi %add3A_288, %shift_left3A_291 : vector<16xi32>
        %add3A_293 = arith.addi %add3A_292, %min3A_228 : vector<16xi32>
        %shift_left3A_294 = arith.constant 7 : i32
        %shift_left3A_295 = vector.broadcast %shift_left3A_294 : i32 to vector<16xi32>
        %shift_left3A_296 = arith.shli %sub3A_261, %shift_left3A_295 : vector<16xi32>
        %shift_left3A_297 = arith.constant 14 : i32
        %shift_left3A_298 = vector.broadcast %shift_left3A_297 : i32 to vector<16xi32>
        %shift_left3A_299 = arith.shli %sub3A_282, %shift_left3A_298 : vector<16xi32>
        %add3A_300 = arith.addi %sub3A_261, %sub3A_282 : vector<16xi32>
        %add3A_301 = arith.addi %sub3A_240, %add3A_300 : vector<16xi32>
        %eq3A = arith.constant 0 : i32
        %eq3A_302 = vector.broadcast %eq3A : i32 to vector<16xi32>
        %eq3A_303 = arith.cmpi eq, %add3A_301, %eq3A_302 : vector<16xi32>
        %eq3A_304 = arith.constant 127 : i32
        %eq3A_305 = vector.broadcast %eq3A_304 : i32 to vector<16xi32>
        %eq3A_306 = arith.cmpi eq, %min3A_228, %eq3A_305 : vector<16xi32>
        %eq3A_307 = arith.constant 127 : i32
        %eq3A_308 = vector.broadcast %eq3A_307 : i32 to vector<16xi32>
        %eq3A_309 = arith.cmpi eq, %min3A_249, %eq3A_308 : vector<16xi32>
        %eq3A_310 = arith.constant 127 : i32
        %eq3A_311 = vector.broadcast %eq3A_310 : i32 to vector<16xi32>
        %eq3A_312 = arith.cmpi eq, %min3A_270, %eq3A_311 : vector<16xi32>
        %broadcast_in_dim3A = vector.broadcast %squeeze3A_85 : f32 to vector<16xf32>
        %broadcast_in_dim3A_313 = vector.broadcast %squeeze3A_83 : f32 to vector<16xf32>
        %select_n3A_314 = arith.select %eq3A_306, %broadcast_in_dim3A, %broadcast_in_dim3A_313 : vector<16xi1>, vector<16xf32>
        %broadcast_in_dim3A_315 = vector.broadcast %squeeze3A_89 : f32 to vector<16xf32>
        %broadcast_in_dim3A_316 = vector.broadcast %squeeze3A_87 : f32 to vector<16xf32>
        %select_n3A_317 = arith.select %eq3A_306, %broadcast_in_dim3A_315, %broadcast_in_dim3A_316 : vector<16xi1>, vector<16xf32>
        %broadcast_in_dim3A_318 = vector.broadcast %squeeze3A_93 : f32 to vector<16xf32>
        %broadcast_in_dim3A_319 = vector.broadcast %squeeze3A_91 : f32 to vector<16xf32>
        %select_n3A_320 = arith.select %eq3A_306, %broadcast_in_dim3A_318, %broadcast_in_dim3A_319 : vector<16xi1>, vector<16xf32>
        %broadcast_in_dim3A_321 = vector.broadcast %squeeze3A_97 : f32 to vector<16xf32>
        %broadcast_in_dim3A_322 = vector.broadcast %squeeze3A_95 : f32 to vector<16xf32>
        %select_n3A_323 = arith.select %eq3A_306, %broadcast_in_dim3A_321, %broadcast_in_dim3A_322 : vector<16xi1>, vector<16xf32>
        %select_n3A_324 = arith.select %eq3A_309, %select_n3A_317, %select_n3A_314 : vector<16xi1>, vector<16xf32>
        %select_n3A_325 = arith.select %eq3A_309, %select_n3A_323, %select_n3A_320 : vector<16xi1>, vector<16xf32>
        %select_n3A_326 = arith.select %eq3A_312, %select_n3A_325, %select_n3A_324 : vector<16xi1>, vector<16xf32>
        %and3A_327 = arith.constant 2097151 : i32
        %and3A_328 = vector.broadcast %and3A_327 : i32 to vector<16xi32>
        %and3A_329 = arith.andi %add3A_128, %and3A_328 : vector<16xi32>
        %eq3A_330 = arith.constant 0 : i32
        %eq3A_331 = vector.broadcast %eq3A_330 : i32 to vector<16xi32>
        %eq3A_332 = arith.cmpi eq, %sub3A_240, %eq3A_331 : vector<16xi32>
        %eq3A_333 = arith.constant 0 : i32
        %eq3A_334 = vector.broadcast %eq3A_333 : i32 to vector<16xi32>
        %eq3A_335 = arith.cmpi eq, %sub3A_261, %eq3A_334 : vector<16xi32>
        %eq3A_336 = arith.constant 0 : i32
        %eq3A_337 = vector.broadcast %eq3A_336 : i32 to vector<16xi32>
        %eq3A_338 = arith.cmpi eq, %sub3A_282, %eq3A_337 : vector<16xi32>
        %or3A = arith.ori %eq3A_332, %eq3A_335 : vector<16xi1>
        %or3A_339 = arith.ori %eq3A_332, %eq3A_338 : vector<16xi1>
        %or3A_340 = arith.ori %eq3A_335, %eq3A_338 : vector<16xi1>
        %or3A_341 = arith.ori %or3A, %eq3A_338 : vector<16xi1>
        %jit3A_342 = arith.constant 1 : i32
        %jit3A_343 = arith.constant 0 : i32
        %broadcast_in_dim3A_344 = vector.broadcast %jit3A_342 : i32 to vector<16xi32>
        %broadcast_in_dim3A_345 = vector.broadcast %jit3A_343 : i32 to vector<16xi32>
        %select_n3A_346 = arith.select %eq3A_306, %broadcast_in_dim3A_344, %broadcast_in_dim3A_345 : vector<16xi1>, vector<16xi32>
        %jit3A_347 = arith.constant 1 : i32
        %jit3A_348 = arith.constant 0 : i32
        %broadcast_in_dim3A_349 = vector.broadcast %jit3A_347 : i32 to vector<16xi32>
        %broadcast_in_dim3A_350 = vector.broadcast %jit3A_348 : i32 to vector<16xi32>
        %select_n3A_351 = arith.select %eq3A_309, %broadcast_in_dim3A_349, %broadcast_in_dim3A_350 : vector<16xi1>, vector<16xi32>
        %jit3A_352 = arith.constant 1 : i32
        %jit3A_353 = arith.constant 0 : i32
        %broadcast_in_dim3A_354 = vector.broadcast %jit3A_352 : i32 to vector<16xi32>
        %broadcast_in_dim3A_355 = vector.broadcast %jit3A_353 : i32 to vector<16xi32>
        %select_n3A_356 = arith.select %eq3A_312, %broadcast_in_dim3A_354, %broadcast_in_dim3A_355 : vector<16xi1>, vector<16xi32>
        %add3A_357 = arith.constant 2 : i32
        %add3A_358 = vector.broadcast %add3A_357 : i32 to vector<16xi32>
        %add3A_359 = arith.addi %add3A_358, %select_n3A_351 : vector<16xi32>
        %add3A_360 = arith.constant 4 : i32
        %add3A_361 = vector.broadcast %add3A_360 : i32 to vector<16xi32>
        %add3A_362 = arith.addi %add3A_361, %select_n3A_356 : vector<16xi32>
        %select_n3A_363 = arith.select %eq3A_335, %add3A_359, %add3A_362 : vector<16xi1>, vector<16xi32>
        %select_n3A_364 = arith.select %eq3A_332, %select_n3A_346, %select_n3A_363 : vector<16xi1>, vector<16xi32>
        %and3A_365 = arith.constant 63 : i32
        %and3A_366 = vector.broadcast %and3A_365 : i32 to vector<16xi32>
        %and3A_367 = arith.andi %add3A_128, %and3A_366 : vector<16xi32>
        %mul3A_368 = arith.constant 12 : i32
        %mul3A_369 = vector.broadcast %mul3A_368 : i32 to vector<16xi32>
        %mul3A_370 = arith.muli %and3A_367, %mul3A_369 : vector<16xi32>
        %mul3A_371 = arith.constant 6 : i32
        %mul3A_372 = arith.muli %select_n3A, %mul3A_371 : i32
        %add3A_373 = vector.broadcast %mul3A_372 : i32 to vector<16xi32>
        %add3A_374 = arith.addi %add3A_373, %select_n3A_364 : vector<16xi32>
        %add3A_375 = arith.addi %mul3A_370, %add3A_374 : vector<16xi32>
        %shift_left3A_376 = arith.constant 14 : i32
        %shift_left3A_377 = vector.broadcast %shift_left3A_376 : i32 to vector<16xi32>
        %shift_left3A_378 = arith.shli %add3A_375, %shift_left3A_377 : vector<16xi32>
        %add3A_379 = arith.constant 4194304 : i32
        %add3A_380 = vector.broadcast %add3A_379 : i32 to vector<16xi32>
        %add3A_381 = arith.addi %add3A_380, %shift_left3A_378 : vector<16xi32>
        %shift_left3A_382 = arith.constant 7 : i32
        %shift_left3A_383 = vector.broadcast %shift_left3A_382 : i32 to vector<16xi32>
        %shift_left3A_384 = arith.shli %min3A_270, %shift_left3A_383 : vector<16xi32>
        %shift_left3A_385 = arith.constant 7 : i32
        %shift_left3A_386 = vector.broadcast %shift_left3A_385 : i32 to vector<16xi32>
        %shift_left3A_387 = arith.shli %sub3A_282, %shift_left3A_386 : vector<16xi32>
        %shift_left3A_388 = arith.constant 7 : i32
        %shift_left3A_389 = vector.broadcast %shift_left3A_388 : i32 to vector<16xi32>
        %shift_left3A_390 = arith.shli %min3A_249, %shift_left3A_389 : vector<16xi32>
        %shift_left3A_391 = arith.constant 7 : i32
        %shift_left3A_392 = vector.broadcast %shift_left3A_391 : i32 to vector<16xi32>
        %shift_left3A_393 = arith.shli %sub3A_261, %shift_left3A_392 : vector<16xi32>
        %add3A_394 = arith.addi %min3A_228, %sub3A_240 : vector<16xi32>
        %add3A_395 = arith.addi %min3A_249, %sub3A_261 : vector<16xi32>
        %add3A_396 = arith.addi %shift_left3A_384, %min3A_249 : vector<16xi32>
        %add3A_397 = arith.addi %shift_left3A_384, %min3A_228 : vector<16xi32>
        %add3A_398 = arith.addi %shift_left3A_390, %min3A_228 : vector<16xi32>
        %select_n3A_399 = arith.select %eq3A_335, %add3A_397, %add3A_398 : vector<16xi1>, vector<16xi32>
        %select_n3A_400 = arith.select %eq3A_332, %add3A_396, %select_n3A_399 : vector<16xi1>, vector<16xi32>
        %add3A_401 = arith.addi %shift_left3A_384, %shift_left3A_387 : vector<16xi32>
        %add3A_402 = arith.addi %add3A_401, %min3A_249 : vector<16xi32>
        %add3A_403 = arith.addi %add3A_401, %min3A_228 : vector<16xi32>
        %add3A_404 = arith.addi %shift_left3A_390, %min3A_228 : vector<16xi32>
        %select_n3A_405 = arith.select %eq3A_335, %add3A_403, %add3A_404 : vector<16xi1>, vector<16xi32>
        %select_n3A_406 = arith.select %eq3A_332, %add3A_402, %select_n3A_405 : vector<16xi1>, vector<16xi32>
        %add3A_407 = arith.addi %shift_left3A_390, %shift_left3A_393 : vector<16xi32>
        %add3A_408 = arith.addi %shift_left3A_384, %add3A_395 : vector<16xi32>
        %add3A_409 = arith.addi %shift_left3A_384, %min3A_228 : vector<16xi32>
        %add3A_410 = arith.addi %add3A_407, %min3A_228 : vector<16xi32>
        %select_n3A_411 = arith.select %eq3A_335, %add3A_409, %add3A_410 : vector<16xi1>, vector<16xi32>
        %select_n3A_412 = arith.select %eq3A_332, %add3A_408, %select_n3A_411 : vector<16xi1>, vector<16xi32>
        %add3A_413 = arith.addi %shift_left3A_384, %shift_left3A_387 : vector<16xi32>
        %add3A_414 = arith.addi %shift_left3A_390, %shift_left3A_393 : vector<16xi32>
        %add3A_415 = arith.addi %add3A_413, %add3A_395 : vector<16xi32>
        %add3A_416 = arith.addi %add3A_413, %min3A_228 : vector<16xi32>
        %add3A_417 = arith.addi %add3A_414, %min3A_228 : vector<16xi32>
        %select_n3A_418 = arith.select %eq3A_335, %add3A_416, %add3A_417 : vector<16xi1>, vector<16xi32>
        %select_n3A_419 = arith.select %eq3A_332, %add3A_415, %select_n3A_418 : vector<16xi1>, vector<16xi32>
        %add3A_420 = arith.addi %shift_left3A_384, %min3A_249 : vector<16xi32>
        %add3A_421 = arith.addi %shift_left3A_384, %add3A_394 : vector<16xi32>
        %add3A_422 = arith.addi %shift_left3A_390, %add3A_394 : vector<16xi32>
        %select_n3A_423 = arith.select %eq3A_335, %add3A_421, %add3A_422 : vector<16xi1>, vector<16xi32>
        %select_n3A_424 = arith.select %eq3A_332, %add3A_420, %select_n3A_423 : vector<16xi1>, vector<16xi32>
        %add3A_425 = arith.addi %shift_left3A_384, %shift_left3A_387 : vector<16xi32>
        %add3A_426 = arith.addi %add3A_425, %min3A_249 : vector<16xi32>
        %add3A_427 = arith.addi %add3A_425, %add3A_394 : vector<16xi32>
        %add3A_428 = arith.addi %shift_left3A_390, %add3A_394 : vector<16xi32>
        %select_n3A_429 = arith.select %eq3A_335, %add3A_427, %add3A_428 : vector<16xi1>, vector<16xi32>
        %select_n3A_430 = arith.select %eq3A_332, %add3A_426, %select_n3A_429 : vector<16xi1>, vector<16xi32>
        %add3A_431 = arith.addi %shift_left3A_390, %shift_left3A_393 : vector<16xi32>
        %add3A_432 = arith.addi %shift_left3A_384, %add3A_395 : vector<16xi32>
        %add3A_433 = arith.addi %shift_left3A_384, %add3A_394 : vector<16xi32>
        %add3A_434 = arith.addi %add3A_431, %add3A_394 : vector<16xi32>
        %select_n3A_435 = arith.select %eq3A_335, %add3A_433, %add3A_434 : vector<16xi1>, vector<16xi32>
        %select_n3A_436 = arith.select %eq3A_332, %add3A_432, %select_n3A_435 : vector<16xi1>, vector<16xi32>
        %add3A_437 = arith.addi %shift_left3A_384, %shift_left3A_387 : vector<16xi32>
        %add3A_438 = arith.addi %shift_left3A_390, %shift_left3A_393 : vector<16xi32>
        %add3A_439 = arith.addi %add3A_437, %add3A_395 : vector<16xi32>
        %add3A_440 = arith.addi %add3A_437, %add3A_394 : vector<16xi32>
        %add3A_441 = arith.addi %add3A_438, %add3A_394 : vector<16xi32>
        %select_n3A_442 = arith.select %eq3A_335, %add3A_440, %add3A_441 : vector<16xi1>, vector<16xi32>
        %select_n3A_443 = arith.select %eq3A_332, %add3A_439, %select_n3A_442 : vector<16xi1>, vector<16xi32>
        %mul3A_444 = arith.constant 16 : i32
        %mul3A_445 = arith.muli %scan3A_123, %mul3A_444 : i32
        %add3A_446 = arith.addi %add3A_381, %select_n3A_400 : vector<16xi32>
        %select_n3A_447 = arith.select %or3A_341, %add3A_446, %add3A_293 : vector<16xi1>, vector<16xi32>
        %select_n3A_448 = arith.select %eq3A_303, %and3A_329, %select_n3A_447 : vector<16xi1>, vector<16xi32>
        %add3A_449 = arith.constant 0 : i32
        %add3A_450 = arith.addi %add3A_449, %mul3A_445 : i32
        %swap3A_451 = arith.index_cast %add3A_450 : i32 to index
        %swap3A_452 = tpu.vector_load %arg5[%swap3A_451] {strides = array<i32>} : memref<8192xi32, #tpu.memory_space<vmem>>, vector<16xi32>,
        %swap3A_453 = vector.shape_cast %swap3A_452 : vector<16xi32> to vector<16xi32>
        %swap3A_454 = vector.shape_cast %select_n3A_448 : vector<16xi32> to vector<16xi32>
        tpu.vector_store %arg5[%swap3A_451], %swap3A_454 {strides = array<i32>} : memref<8192xi32, #tpu.memory_space<vmem>>, vector<16xi32>,
        %add3A_455 = arith.addi %add3A_293, %shift_left3A_299 : vector<16xi32>
        %add3A_456 = arith.addi %add3A_381, %select_n3A_406 : vector<16xi32>
        %select_n3A_457 = arith.select %or3A_341, %add3A_456, %add3A_455 : vector<16xi1>, vector<16xi32>
        %select_n3A_458 = arith.select %eq3A_338, %and3A_329, %select_n3A_457 : vector<16xi1>, vector<16xi32>
        %add3A_459 = arith.constant 1024 : i32
        %add3A_460 = arith.addi %add3A_459, %mul3A_445 : i32
        %swap3A_461 = arith.index_cast %add3A_460 : i32 to index
        %swap3A_462 = tpu.vector_load %arg5[%swap3A_461] {strides = array<i32>} : memref<8192xi32, #tpu.memory_space<vmem>>, vector<16xi32>,
        %swap3A_463 = vector.shape_cast %swap3A_462 : vector<16xi32> to vector<16xi32>
        %swap3A_464 = vector.shape_cast %select_n3A_458 : vector<16xi32> to vector<16xi32>
        tpu.vector_store %arg5[%swap3A_461], %swap3A_464 {strides = array<i32>} : memref<8192xi32, #tpu.memory_space<vmem>>, vector<16xi32>,
        %add3A_465 = arith.addi %add3A_293, %shift_left3A_296 : vector<16xi32>
        %add3A_466 = arith.addi %add3A_381, %select_n3A_412 : vector<16xi32>
        %select_n3A_467 = arith.select %or3A_341, %add3A_466, %add3A_465 : vector<16xi1>, vector<16xi32>
        %select_n3A_468 = arith.select %eq3A_335, %and3A_329, %select_n3A_467 : vector<16xi1>, vector<16xi32>
        %add3A_469 = arith.constant 2048 : i32
        %add3A_470 = arith.addi %add3A_469, %mul3A_445 : i32
        %swap3A_471 = arith.index_cast %add3A_470 : i32 to index
        %swap3A_472 = tpu.vector_load %arg5[%swap3A_471] {strides = array<i32>} : memref<8192xi32, #tpu.memory_space<vmem>>, vector<16xi32>,
        %swap3A_473 = vector.shape_cast %swap3A_472 : vector<16xi32> to vector<16xi32>
        %swap3A_474 = vector.shape_cast %select_n3A_468 : vector<16xi32> to vector<16xi32>
        tpu.vector_store %arg5[%swap3A_471], %swap3A_474 {strides = array<i32>} : memref<8192xi32, #tpu.memory_space<vmem>>, vector<16xi32>,
        %add3A_475 = arith.addi %shift_left3A_296, %shift_left3A_299 : vector<16xi32>
        %add3A_476 = arith.addi %add3A_293, %add3A_475 : vector<16xi32>
        %add3A_477 = arith.addi %add3A_381, %select_n3A_419 : vector<16xi32>
        %select_n3A_478 = arith.select %or3A_341, %add3A_477, %add3A_476 : vector<16xi1>, vector<16xi32>
        %select_n3A_479 = arith.select %or3A_340, %and3A_329, %select_n3A_478 : vector<16xi1>, vector<16xi32>
        %add3A_480 = arith.constant 3072 : i32
        %add3A_481 = arith.addi %add3A_480, %mul3A_445 : i32
        %swap3A_482 = arith.index_cast %add3A_481 : i32 to index
        %swap3A_483 = tpu.vector_load %arg5[%swap3A_482] {strides = array<i32>} : memref<8192xi32, #tpu.memory_space<vmem>>, vector<16xi32>,
        %swap3A_484 = vector.shape_cast %swap3A_483 : vector<16xi32> to vector<16xi32>
        %swap3A_485 = vector.shape_cast %select_n3A_479 : vector<16xi32> to vector<16xi32>
        tpu.vector_store %arg5[%swap3A_482], %swap3A_485 {strides = array<i32>} : memref<8192xi32, #tpu.memory_space<vmem>>, vector<16xi32>,
        %add3A_486 = arith.addi %add3A_293, %sub3A_240 : vector<16xi32>
        %add3A_487 = arith.addi %add3A_381, %select_n3A_424 : vector<16xi32>
        %select_n3A_488 = arith.select %or3A_341, %add3A_487, %add3A_486 : vector<16xi1>, vector<16xi32>
        %select_n3A_489 = arith.select %eq3A_332, %and3A_329, %select_n3A_488 : vector<16xi1>, vector<16xi32>
        %add3A_490 = arith.constant 4096 : i32
        %add3A_491 = arith.addi %add3A_490, %mul3A_445 : i32
        %swap3A_492 = arith.index_cast %add3A_491 : i32 to index
        %swap3A_493 = tpu.vector_load %arg5[%swap3A_492] {strides = array<i32>} : memref<8192xi32, #tpu.memory_space<vmem>>, vector<16xi32>,
        %swap3A_494 = vector.shape_cast %swap3A_493 : vector<16xi32> to vector<16xi32>
        %swap3A_495 = vector.shape_cast %select_n3A_489 : vector<16xi32> to vector<16xi32>
        tpu.vector_store %arg5[%swap3A_492], %swap3A_495 {strides = array<i32>} : memref<8192xi32, #tpu.memory_space<vmem>>, vector<16xi32>,
        %add3A_496 = arith.addi %sub3A_240, %shift_left3A_299 : vector<16xi32>
        %add3A_497 = arith.addi %add3A_293, %add3A_496 : vector<16xi32>
        %add3A_498 = arith.addi %add3A_381, %select_n3A_430 : vector<16xi32>
        %select_n3A_499 = arith.select %or3A_341, %add3A_498, %add3A_497 : vector<16xi1>, vector<16xi32>
        %select_n3A_500 = arith.select %or3A_339, %and3A_329, %select_n3A_499 : vector<16xi1>, vector<16xi32>
        %add3A_501 = arith.constant 5120 : i32
        %add3A_502 = arith.addi %add3A_501, %mul3A_445 : i32
        %swap3A_503 = arith.index_cast %add3A_502 : i32 to index
        %swap3A_504 = tpu.vector_load %arg5[%swap3A_503] {strides = array<i32>} : memref<8192xi32, #tpu.memory_space<vmem>>, vector<16xi32>,
        %swap3A_505 = vector.shape_cast %swap3A_504 : vector<16xi32> to vector<16xi32>
        %swap3A_506 = vector.shape_cast %select_n3A_500 : vector<16xi32> to vector<16xi32>
        tpu.vector_store %arg5[%swap3A_503], %swap3A_506 {strides = array<i32>} : memref<8192xi32, #tpu.memory_space<vmem>>, vector<16xi32>,
        %add3A_507 = arith.addi %sub3A_240, %shift_left3A_296 : vector<16xi32>
        %add3A_508 = arith.addi %add3A_293, %add3A_507 : vector<16xi32>
        %add3A_509 = arith.addi %add3A_381, %select_n3A_436 : vector<16xi32>
        %select_n3A_510 = arith.select %or3A_341, %add3A_509, %add3A_508 : vector<16xi1>, vector<16xi32>
        %select_n3A_511 = arith.select %or3A, %and3A_329, %select_n3A_510 : vector<16xi1>, vector<16xi32>
        %add3A_512 = arith.constant 6144 : i32
        %add3A_513 = arith.addi %add3A_512, %mul3A_445 : i32
        %swap3A_514 = arith.index_cast %add3A_513 : i32 to index
        %swap3A_515 = tpu.vector_load %arg5[%swap3A_514] {strides = array<i32>} : memref<8192xi32, #tpu.memory_space<vmem>>, vector<16xi32>,
        %swap3A_516 = vector.shape_cast %swap3A_515 : vector<16xi32> to vector<16xi32>
        %swap3A_517 = vector.shape_cast %select_n3A_511 : vector<16xi32> to vector<16xi32>
        tpu.vector_store %arg5[%swap3A_514], %swap3A_517 {strides = array<i32>} : memref<8192xi32, #tpu.memory_space<vmem>>, vector<16xi32>,
        %add3A_518 = arith.addi %sub3A_240, %shift_left3A_296 : vector<16xi32>
        %add3A_519 = arith.addi %add3A_518, %shift_left3A_299 : vector<16xi32>
        %add3A_520 = arith.addi %add3A_293, %add3A_519 : vector<16xi32>
        %add3A_521 = arith.addi %add3A_381, %select_n3A_443 : vector<16xi32>
        %select_n3A_522 = arith.select %or3A_341, %add3A_521, %add3A_520 : vector<16xi1>, vector<16xi32>
        %select_n3A_523 = arith.select %or3A_341, %and3A_329, %select_n3A_522 : vector<16xi1>, vector<16xi32>
        %add3A_524 = arith.constant 7168 : i32
        %add3A_525 = arith.addi %add3A_524, %mul3A_445 : i32
        %swap3A_526 = arith.index_cast %add3A_525 : i32 to index
        %swap3A_527 = tpu.vector_load %arg5[%swap3A_526] {strides = array<i32>} : memref<8192xi32, #tpu.memory_space<vmem>>, vector<16xi32>,
        %swap3A_528 = vector.shape_cast %swap3A_527 : vector<16xi32> to vector<16xi32>
        %swap3A_529 = vector.shape_cast %select_n3A_523 : vector<16xi32> to vector<16xi32>
        tpu.vector_store %arg5[%swap3A_526], %swap3A_529 {strides = array<i32>} : memref<8192xi32, #tpu.memory_space<vmem>>, vector<16xi32>,
        %swap3A_530 = arith.constant 0 : i32
        %swap3A_531 = arith.index_cast %swap3A_530 : i32 to index
        %swap3A_532 = arith.index_cast %mul3A_445 : i32 to index
        %swap3A_533 = tpu.vector_load %arg7[%swap3A_531, %swap3A_532] {strides = array<i32>} : memref<11x1024xf32, #tpu.memory_space<vmem>>, vector<1x16xf32>,
        %swap3A_534 = vector.shape_cast %swap3A_533 : vector<1x16xf32> to vector<16xf32>
        %swap3A_535 = vector.shape_cast %sub3A_241 : vector<16xf32> to vector<1x16xf32>
        tpu.vector_store %arg7[%swap3A_531, %swap3A_532], %swap3A_535 {strides = array<i32>} : memref<11x1024xf32, #tpu.memory_space<vmem>>, vector<1x16xf32>,
        %swap3A_536 = arith.constant 1 : i32
        %swap3A_537 = arith.index_cast %swap3A_536 : i32 to index
        %swap3A_538 = arith.index_cast %mul3A_445 : i32 to index
        %swap3A_539 = tpu.vector_load %arg7[%swap3A_537, %swap3A_538] {strides = array<i32>} : memref<11x1024xf32, #tpu.memory_space<vmem>>, vector<1x16xf32>,
        %swap3A_540 = vector.shape_cast %swap3A_539 : vector<1x16xf32> to vector<16xf32>
        %swap3A_541 = vector.shape_cast %sub3A_242 : vector<16xf32> to vector<1x16xf32>
        tpu.vector_store %arg7[%swap3A_537, %swap3A_538], %swap3A_541 {strides = array<i32>} : memref<11x1024xf32, #tpu.memory_space<vmem>>, vector<1x16xf32>,
        %swap3A_542 = arith.constant 2 : i32
        %swap3A_543 = arith.index_cast %swap3A_542 : i32 to index
        %swap3A_544 = arith.index_cast %mul3A_445 : i32 to index
        %swap3A_545 = tpu.vector_load %arg7[%swap3A_543, %swap3A_544] {strides = array<i32>} : memref<11x1024xf32, #tpu.memory_space<vmem>>, vector<1x16xf32>,
        %swap3A_546 = vector.shape_cast %swap3A_545 : vector<1x16xf32> to vector<16xf32>
        %swap3A_547 = vector.shape_cast %sub3A_262 : vector<16xf32> to vector<1x16xf32>
        tpu.vector_store %arg7[%swap3A_543, %swap3A_544], %swap3A_547 {strides = array<i32>} : memref<11x1024xf32, #tpu.memory_space<vmem>>, vector<1x16xf32>,
        %swap3A_548 = arith.constant 3 : i32
        %swap3A_549 = arith.index_cast %swap3A_548 : i32 to index
        %swap3A_550 = arith.index_cast %mul3A_445 : i32 to index
        %swap3A_551 = tpu.vector_load %arg7[%swap3A_549, %swap3A_550] {strides = array<i32>} : memref<11x1024xf32, #tpu.memory_space<vmem>>, vector<1x16xf32>,
        %swap3A_552 = vector.shape_cast %swap3A_551 : vector<1x16xf32> to vector<16xf32>
        %swap3A_553 = vector.shape_cast %sub3A_263 : vector<16xf32> to vector<1x16xf32>
        tpu.vector_store %arg7[%swap3A_549, %swap3A_550], %swap3A_553 {strides = array<i32>} : memref<11x1024xf32, #tpu.memory_space<vmem>>, vector<1x16xf32>,
        %swap3A_554 = arith.constant 4 : i32
        %swap3A_555 = arith.index_cast %swap3A_554 : i32 to index
        %swap3A_556 = arith.index_cast %mul3A_445 : i32 to index
        %swap3A_557 = tpu.vector_load %arg7[%swap3A_555, %swap3A_556] {strides = array<i32>} : memref<11x1024xf32, #tpu.memory_space<vmem>>, vector<1x16xf32>,
        %swap3A_558 = vector.shape_cast %swap3A_557 : vector<1x16xf32> to vector<16xf32>
        %swap3A_559 = vector.shape_cast %sub3A_283 : vector<16xf32> to vector<1x16xf32>
        tpu.vector_store %arg7[%swap3A_555, %swap3A_556], %swap3A_559 {strides = array<i32>} : memref<11x1024xf32, #tpu.memory_space<vmem>>, vector<1x16xf32>,
        %swap3A_560 = arith.constant 5 : i32
        %swap3A_561 = arith.index_cast %swap3A_560 : i32 to index
        %swap3A_562 = arith.index_cast %mul3A_445 : i32 to index
        %swap3A_563 = tpu.vector_load %arg7[%swap3A_561, %swap3A_562] {strides = array<i32>} : memref<11x1024xf32, #tpu.memory_space<vmem>>, vector<1x16xf32>,
        %swap3A_564 = vector.shape_cast %swap3A_563 : vector<1x16xf32> to vector<16xf32>
        %swap3A_565 = vector.shape_cast %sub3A_284 : vector<16xf32> to vector<1x16xf32>
        tpu.vector_store %arg7[%swap3A_561, %swap3A_562], %swap3A_565 {strides = array<i32>} : memref<11x1024xf32, #tpu.memory_space<vmem>>, vector<1x16xf32>,
        %jit3A_566 = arith.constant 0.000000e+00 : f32
        %broadcast_in_dim3A_567 = vector.broadcast %scan3A : f32 to vector<16xf32>
        %broadcast_in_dim3A_568 = vector.broadcast %jit3A_566 : f32 to vector<16xf32>
        %select_n3A_569 = arith.select %eq3A_303, %broadcast_in_dim3A_567, %broadcast_in_dim3A_568 : vector<16xi1>, vector<16xf32>
        %swap3A_570 = arith.constant 6 : i32
        %swap3A_571 = arith.index_cast %swap3A_570 : i32 to index
        %swap3A_572 = arith.index_cast %mul3A_445 : i32 to index
        %swap3A_573 = tpu.vector_load %arg7[%swap3A_571, %swap3A_572] {strides = array<i32>} : memref<11x1024xf32, #tpu.memory_space<vmem>>, vector<1x16xf32>,
        %swap3A_574 = vector.shape_cast %swap3A_573 : vector<1x16xf32> to vector<16xf32>
        %swap3A_575 = vector.shape_cast %select_n3A_569 : vector<16xf32> to vector<1x16xf32>
        tpu.vector_store %arg7[%swap3A_571, %swap3A_572], %swap3A_575 {strides = array<i32>} : memref<11x1024xf32, #tpu.memory_space<vmem>>, vector<1x16xf32>,
        %swap3A_576 = arith.constant 7 : i32
        %swap3A_577 = arith.index_cast %swap3A_576 : i32 to index
        %swap3A_578 = arith.index_cast %mul3A_445 : i32 to index
        %swap3A_579 = tpu.vector_load %arg7[%swap3A_577, %swap3A_578] {strides = array<i32>} : memref<11x1024xf32, #tpu.memory_space<vmem>>, vector<1x16xf32>,
        %swap3A_580 = vector.shape_cast %swap3A_579 : vector<1x16xf32> to vector<16xf32>
        %swap3A_581 = vector.shape_cast %select_n3A_326 : vector<16xf32> to vector<1x16xf32>
        tpu.vector_store %arg7[%swap3A_577, %swap3A_578], %swap3A_581 {strides = array<i32>} : memref<11x1024xf32, #tpu.memory_space<vmem>>, vector<1x16xf32>,
        %jit3A_582 = arith.constant 0.000000e+00 : f32
        %broadcast_in_dim3A_583 = vector.broadcast %scan3A : f32 to vector<16xf32>
        %broadcast_in_dim3A_584 = vector.broadcast %jit3A_582 : f32 to vector<16xf32>
        %select_n3A_585 = arith.select %eq3A_332, %broadcast_in_dim3A_583, %broadcast_in_dim3A_584 : vector<16xi1>, vector<16xf32>
        %swap3A_586 = arith.constant 8 : i32
        %swap3A_587 = arith.index_cast %swap3A_586 : i32 to index
        %swap3A_588 = arith.index_cast %mul3A_445 : i32 to index
        %swap3A_589 = tpu.vector_load %arg7[%swap3A_587, %swap3A_588] {strides = array<i32>} : memref<11x1024xf32, #tpu.memory_space<vmem>>, vector<1x16xf32>,
        %swap3A_590 = vector.shape_cast %swap3A_589 : vector<1x16xf32> to vector<16xf32>
        %swap3A_591 = vector.shape_cast %select_n3A_585 : vector<16xf32> to vector<1x16xf32>
        tpu.vector_store %arg7[%swap3A_587, %swap3A_588], %swap3A_591 {strides = array<i32>} : memref<11x1024xf32, #tpu.memory_space<vmem>>, vector<1x16xf32>,
        %jit3A_592 = arith.constant 0.000000e+00 : f32
        %broadcast_in_dim3A_593 = vector.broadcast %scan3A : f32 to vector<16xf32>
        %broadcast_in_dim3A_594 = vector.broadcast %jit3A_592 : f32 to vector<16xf32>
        %select_n3A_595 = arith.select %eq3A_335, %broadcast_in_dim3A_593, %broadcast_in_dim3A_594 : vector<16xi1>, vector<16xf32>
        %swap3A_596 = arith.constant 9 : i32
        %swap3A_597 = arith.index_cast %swap3A_596 : i32 to index
        %swap3A_598 = arith.index_cast %mul3A_445 : i32 to index
        %swap3A_599 = tpu.vector_load %arg7[%swap3A_597, %swap3A_598] {strides = array<i32>} : memref<11x1024xf32, #tpu.memory_space<vmem>>, vector<1x16xf32>,
        %swap3A_600 = vector.shape_cast %swap3A_599 : vector<1x16xf32> to vector<16xf32>
        %swap3A_601 = vector.shape_cast %select_n3A_595 : vector<16xf32> to vector<1x16xf32>
        tpu.vector_store %arg7[%swap3A_597, %swap3A_598], %swap3A_601 {strides = array<i32>} : memref<11x1024xf32, #tpu.memory_space<vmem>>, vector<1x16xf32>,
        %jit3A_602 = arith.constant 0.000000e+00 : f32
        %broadcast_in_dim3A_603 = vector.broadcast %scan3A : f32 to vector<16xf32>
        %broadcast_in_dim3A_604 = vector.broadcast %jit3A_602 : f32 to vector<16xf32>
        %select_n3A_605 = arith.select %eq3A_338, %broadcast_in_dim3A_603, %broadcast_in_dim3A_604 : vector<16xi1>, vector<16xf32>
        %swap3A_606 = arith.constant 10 : i32
        %swap3A_607 = arith.index_cast %swap3A_606 : i32 to index
        %swap3A_608 = arith.index_cast %mul3A_445 : i32 to index
        %swap3A_609 = tpu.vector_load %arg7[%swap3A_607, %swap3A_608] {strides = array<i32>} : memref<11x1024xf32, #tpu.memory_space<vmem>>, vector<1x16xf32>,
        %swap3A_610 = vector.shape_cast %swap3A_609 : vector<1x16xf32> to vector<16xf32>
        %swap3A_611 = vector.shape_cast %select_n3A_605 : vector<16xf32> to vector<1x16xf32>
        tpu.vector_store %arg7[%swap3A_607, %swap3A_608], %swap3A_611 {strides = array<i32>} : memref<11x1024xf32, #tpu.memory_space<vmem>>, vector<1x16xf32>,
      }
      %scan3A_113 = arith.constant 64 : i32
      %dma_start3A_114 = arith.constant 0 : i32
      %dma_start3A_115 = tpu.memref_slice %arg2[%dma_start3A_114] : memref<16777216xf32, #tpu.memory_space<hbm>> -> memref<16777216xf32, #tpu.memory_space<hbm>>
      tpu.enqueue_indirect_dma source(%dma_start3A_115 : memref<16777216xf32, #tpu.memory_space<hbm>>) target(%arg6 : memref<8192xf32, #tpu.memory_space<vmem>>) offsets(%arg5 : memref<8192xi32, #tpu.memory_space<vmem>>) semaphore(%arg12 : memref<!tpu.dma_semaphore, #tpu.memory_space<semaphore_mem>>)
      %dma_wait3A_116 = arith.constant 0 : i32
      %dma_wait3A_117 = tpu.memref_slice %arg2[%dma_wait3A_116] : memref<16777216xf32, #tpu.memory_space<hbm>> -> memref<16777216xf32, #tpu.memory_space<hbm>>
      tpu.wait_indirect_dma semaphore(%arg12 : memref<!tpu.dma_semaphore, #tpu.memory_space<semaphore_mem>>) src(%dma_wait3A_117 : memref<16777216xf32, #tpu.memory_space<hbm>>) dst(%arg6 : memref<8192xf32, #tpu.memory_space<vmem>>)
      %scan3A_118 = arith.constant 0 : i32
      %scan3A_119 = arith.constant 64 : i32
      %scan3A_120 = arith.addi %scan3A_118, %scan3A_119 : i32
      %scan3A_121 = arith.constant 1 : i32
      scf.for %scan3A_123 = %scan3A_118 to %scan3A_120 step %scan3A_121  : i32 {
        %mul3A_124 = arith.constant 16 : i32
        %mul3A_125 = arith.muli %scan3A_123, %mul3A_124 : i32
        %get3A_126 = arith.constant 0 : i32
        %get3A_127 = arith.index_cast %get3A_126 : i32 to index
        %get3A_128 = arith.index_cast %mul3A_125 : i32 to index
        %get3A_129 = tpu.vector_load %arg7[%get3A_127, %get3A_128] {strides = array<i32>} : memref<11x1024xf32, #tpu.memory_space<vmem>>, vector<1x16xf32>,
        %get3A_130 = vector.shape_cast %get3A_129 : vector<1x16xf32> to vector<16xf32>
        %get3A_131 = arith.constant 1 : i32
        %get3A_132 = arith.index_cast %get3A_131 : i32 to index
        %get3A_133 = arith.index_cast %mul3A_125 : i32 to index
        %get3A_134 = tpu.vector_load %arg7[%get3A_132, %get3A_133] {strides = array<i32>} : memref<11x1024xf32, #tpu.memory_space<vmem>>, vector<1x16xf32>,
        %get3A_135 = vector.shape_cast %get3A_134 : vector<1x16xf32> to vector<16xf32>
        %get3A_136 = arith.constant 2 : i32
        %get3A_137 = arith.index_cast %get3A_136 : i32 to index
        %get3A_138 = arith.index_cast %mul3A_125 : i32 to index
        %get3A_139 = tpu.vector_load %arg7[%get3A_137, %get3A_138] {strides = array<i32>} : memref<11x1024xf32, #tpu.memory_space<vmem>>, vector<1x16xf32>,
        %get3A_140 = vector.shape_cast %get3A_139 : vector<1x16xf32> to vector<16xf32>
        %get3A_141 = arith.constant 3 : i32
        %get3A_142 = arith.index_cast %get3A_141 : i32 to index
        %get3A_143 = arith.index_cast %mul3A_125 : i32 to index
        %get3A_144 = tpu.vector_load %arg7[%get3A_142, %get3A_143] {strides = array<i32>} : memref<11x1024xf32, #tpu.memory_space<vmem>>, vector<1x16xf32>,
        %get3A_145 = vector.shape_cast %get3A_144 : vector<1x16xf32> to vector<16xf32>
        %get3A_146 = arith.constant 4 : i32
        %get3A_147 = arith.index_cast %get3A_146 : i32 to index
        %get3A_148 = arith.index_cast %mul3A_125 : i32 to index
        %get3A_149 = tpu.vector_load %arg7[%get3A_147, %get3A_148] {strides = array<i32>} : memref<11x1024xf32, #tpu.memory_space<vmem>>, vector<1x16xf32>,
        %get3A_150 = vector.shape_cast %get3A_149 : vector<1x16xf32> to vector<16xf32>
        %get3A_151 = arith.constant 5 : i32
        %get3A_152 = arith.index_cast %get3A_151 : i32 to index
        %get3A_153 = arith.index_cast %mul3A_125 : i32 to index
        %get3A_154 = tpu.vector_load %arg7[%get3A_152, %get3A_153] {strides = array<i32>} : memref<11x1024xf32, #tpu.memory_space<vmem>>, vector<1x16xf32>,
        %get3A_155 = vector.shape_cast %get3A_154 : vector<1x16xf32> to vector<16xf32>
        %get3A_156 = arith.constant 6 : i32
        %get3A_157 = arith.index_cast %get3A_156 : i32 to index
        %get3A_158 = arith.index_cast %mul3A_125 : i32 to index
        %get3A_159 = tpu.vector_load %arg7[%get3A_157, %get3A_158] {strides = array<i32>} : memref<11x1024xf32, #tpu.memory_space<vmem>>, vector<1x16xf32>,
        %get3A_160 = vector.shape_cast %get3A_159 : vector<1x16xf32> to vector<16xf32>
        %gt3A = vector.broadcast %scan3A_98 : f32 to vector<16xf32>
        %gt3A_161 = arith.cmpf ogt, %get3A_160, %gt3A : vector<16xf32>
        %get3A_162 = arith.constant 7 : i32
        %get3A_163 = arith.index_cast %get3A_162 : i32 to index
        %get3A_164 = arith.index_cast %mul3A_125 : i32 to index
        %get3A_165 = tpu.vector_load %arg7[%get3A_163, %get3A_164] {strides = array<i32>} : memref<11x1024xf32, #tpu.memory_space<vmem>>, vector<1x16xf32>,
        %get3A_166 = vector.shape_cast %get3A_165 : vector<1x16xf32> to vector<16xf32>
        %get3A_167 = arith.constant 8 : i32
        %get3A_168 = arith.index_cast %get3A_167 : i32 to index
        %get3A_169 = arith.index_cast %mul3A_125 : i32 to index
        %get3A_170 = tpu.vector_load %arg7[%get3A_168, %get3A_169] {strides = array<i32>} : memref<11x1024xf32, #tpu.memory_space<vmem>>, vector<1x16xf32>,
        %get3A_171 = vector.shape_cast %get3A_170 : vector<1x16xf32> to vector<16xf32>
        %gt3A_172 = vector.broadcast %scan3A_98 : f32 to vector<16xf32>
        %gt3A_173 = arith.cmpf ogt, %get3A_171, %gt3A_172 : vector<16xf32>
        %get3A_174 = arith.constant 9 : i32
        %get3A_175 = arith.index_cast %get3A_174 : i32 to index
        %get3A_176 = arith.index_cast %mul3A_125 : i32 to index
        %get3A_177 = tpu.vector_load %arg7[%get3A_175, %get3A_176] {strides = array<i32>} : memref<11x1024xf32, #tpu.memory_space<vmem>>, vector<1x16xf32>,
        %get3A_178 = vector.shape_cast %get3A_177 : vector<1x16xf32> to vector<16xf32>
        %gt3A_179 = vector.broadcast %scan3A_98 : f32 to vector<16xf32>
        %gt3A_180 = arith.cmpf ogt, %get3A_178, %gt3A_179 : vector<16xf32>
        %get3A_181 = arith.constant 10 : i32
        %get3A_182 = arith.index_cast %get3A_181 : i32 to index
        %get3A_183 = arith.index_cast %mul3A_125 : i32 to index
        %get3A_184 = tpu.vector_load %arg7[%get3A_182, %get3A_183] {strides = array<i32>} : memref<11x1024xf32, #tpu.memory_space<vmem>>, vector<1x16xf32>,
        %get3A_185 = vector.shape_cast %get3A_184 : vector<1x16xf32> to vector<16xf32>
        %gt3A_186 = vector.broadcast %scan3A_98 : f32 to vector<16xf32>
        %gt3A_187 = arith.cmpf ogt, %get3A_185, %gt3A_186 : vector<16xf32>
        %add3A_188 = arith.constant 0 : i32
        %add3A_189 = arith.addi %add3A_188, %mul3A_125 : i32
        %get3A_190 = arith.index_cast %add3A_189 : i32 to index
        %get3A_191 = tpu.vector_load %arg6[%get3A_190] {strides = array<i32>} : memref<8192xf32, #tpu.memory_space<vmem>>, vector<16xf32>,
        %get3A_192 = vector.shape_cast %get3A_191 : vector<16xf32> to vector<16xf32>
        %add3A_193 = arith.constant 1024 : i32
        %add3A_194 = arith.addi %add3A_193, %mul3A_125 : i32
        %get3A_195 = arith.index_cast %add3A_194 : i32 to index
        %get3A_196 = tpu.vector_load %arg6[%get3A_195] {strides = array<i32>} : memref<8192xf32, #tpu.memory_space<vmem>>, vector<16xf32>,
        %get3A_197 = vector.shape_cast %get3A_196 : vector<16xf32> to vector<16xf32>
        %add3A_198 = arith.constant 2048 : i32
        %add3A_199 = arith.addi %add3A_198, %mul3A_125 : i32
        %get3A_200 = arith.index_cast %add3A_199 : i32 to index
        %get3A_201 = tpu.vector_load %arg6[%get3A_200] {strides = array<i32>} : memref<8192xf32, #tpu.memory_space<vmem>>, vector<16xf32>,
        %get3A_202 = vector.shape_cast %get3A_201 : vector<16xf32> to vector<16xf32>
        %add3A_203 = arith.constant 3072 : i32
        %add3A_204 = arith.addi %add3A_203, %mul3A_125 : i32
        %get3A_205 = arith.index_cast %add3A_204 : i32 to index
        %get3A_206 = tpu.vector_load %arg6[%get3A_205] {strides = array<i32>} : memref<8192xf32, #tpu.memory_space<vmem>>, vector<16xf32>,
        %get3A_207 = vector.shape_cast %get3A_206 : vector<16xf32> to vector<16xf32>
        %add3A_208 = arith.constant 4096 : i32
        %add3A_209 = arith.addi %add3A_208, %mul3A_125 : i32
        %get3A_210 = arith.index_cast %add3A_209 : i32 to index
        %get3A_211 = tpu.vector_load %arg6[%get3A_210] {strides = array<i32>} : memref<8192xf32, #tpu.memory_space<vmem>>, vector<16xf32>,
        %get3A_212 = vector.shape_cast %get3A_211 : vector<16xf32> to vector<16xf32>
        %add3A_213 = arith.constant 5120 : i32
        %add3A_214 = arith.addi %add3A_213, %mul3A_125 : i32
        %get3A_215 = arith.index_cast %add3A_214 : i32 to index
        %get3A_216 = tpu.vector_load %arg6[%get3A_215] {strides = array<i32>} : memref<8192xf32, #tpu.memory_space<vmem>>, vector<16xf32>,
        %get3A_217 = vector.shape_cast %get3A_216 : vector<16xf32> to vector<16xf32>
        %add3A_218 = arith.constant 6144 : i32
        %add3A_219 = arith.addi %add3A_218, %mul3A_125 : i32
        %get3A_220 = arith.index_cast %add3A_219 : i32 to index
        %get3A_221 = tpu.vector_load %arg6[%get3A_220] {strides = array<i32>} : memref<8192xf32, #tpu.memory_space<vmem>>, vector<16xf32>,
        %get3A_222 = vector.shape_cast %get3A_221 : vector<16xf32> to vector<16xf32>
        %add3A_223 = arith.constant 7168 : i32
        %add3A_224 = arith.addi %add3A_223, %mul3A_125 : i32
        %get3A_225 = arith.index_cast %add3A_224 : i32 to index
        %get3A_226 = tpu.vector_load %arg6[%get3A_225] {strides = array<i32>} : memref<8192xf32, #tpu.memory_space<vmem>>, vector<16xf32>,
        %get3A_227 = vector.shape_cast %get3A_226 : vector<16xf32> to vector<16xf32>
        %select_n3A_228 = arith.select %gt3A_173, %get3A_192, %get3A_212 : vector<16xi1>, vector<16xf32>
        %select_n3A_229 = arith.select %gt3A_180, %get3A_192, %get3A_202 : vector<16xi1>, vector<16xf32>
        %select_n3A_230 = arith.select %gt3A_180, %select_n3A_228, %get3A_222 : vector<16xi1>, vector<16xf32>
        %select_n3A_231 = arith.select %gt3A_173, %select_n3A_229, %select_n3A_230 : vector<16xi1>, vector<16xf32>
        %select_n3A_232 = arith.select %gt3A_187, %get3A_192, %get3A_197 : vector<16xi1>, vector<16xf32>
        %select_n3A_233 = arith.select %gt3A_173, %select_n3A_232, %get3A_217 : vector<16xi1>, vector<16xf32>
        %select_n3A_234 = arith.select %gt3A_187, %select_n3A_228, %select_n3A_233 : vector<16xi1>, vector<16xf32>
        %select_n3A_235 = arith.select %gt3A_180, %select_n3A_232, %get3A_207 : vector<16xi1>, vector<16xf32>
        %select_n3A_236 = arith.select %gt3A_187, %select_n3A_229, %select_n3A_235 : vector<16xi1>, vector<16xf32>
        %select_n3A_237 = arith.select %gt3A_180, %select_n3A_234, %get3A_227 : vector<16xi1>, vector<16xf32>
        %select_n3A_238 = arith.select %gt3A_173, %select_n3A_236, %select_n3A_237 : vector<16xi1>, vector<16xf32>
        %select_n3A_239 = arith.select %gt3A_187, %select_n3A_231, %select_n3A_238 : vector<16xi1>, vector<16xf32>
        %select_n3A_240 = arith.select %gt3A_161, %get3A_166, %get3A_192 : vector<16xi1>, vector<16xf32>
        %select_n3A_241 = arith.select %gt3A_161, %get3A_166, %select_n3A_232 : vector<16xi1>, vector<16xf32>
        %select_n3A_242 = arith.select %gt3A_161, %get3A_166, %select_n3A_229 : vector<16xi1>, vector<16xf32>
        %select_n3A_243 = arith.select %gt3A_161, %get3A_166, %select_n3A_236 : vector<16xi1>, vector<16xf32>
        %select_n3A_244 = arith.select %gt3A_161, %get3A_166, %select_n3A_228 : vector<16xi1>, vector<16xf32>
        %select_n3A_245 = arith.select %gt3A_161, %get3A_166, %select_n3A_234 : vector<16xi1>, vector<16xf32>
        %select_n3A_246 = arith.select %gt3A_161, %get3A_166, %select_n3A_231 : vector<16xi1>, vector<16xf32>
        %select_n3A_247 = arith.select %gt3A_161, %get3A_166, %select_n3A_239 : vector<16xi1>, vector<16xf32>
        %mul3A_248 = arith.mulf %get3A_130, %get3A_140 : vector<16xf32>
        %mul3A_249 = arith.mulf %get3A_130, %get3A_145 : vector<16xf32>
        %mul3A_250 = arith.mulf %get3A_135, %get3A_140 : vector<16xf32>
        %mul3A_251 = arith.mulf %get3A_135, %get3A_145 : vector<16xf32>
        %mul3A_252 = arith.mulf %mul3A_248, %get3A_150 : vector<16xf32>
        %mul3A_253 = arith.mulf %mul3A_252, %select_n3A_240 : vector<16xf32>
        %mul3A_254 = arith.mulf %mul3A_248, %get3A_155 : vector<16xf32>
        %mul3A_255 = arith.mulf %mul3A_254, %select_n3A_241 : vector<16xf32>
        %add3A_256 = arith.addf %mul3A_253, %mul3A_255 : vector<16xf32>
        %mul3A_257 = arith.mulf %mul3A_249, %get3A_150 : vector<16xf32>
        %mul3A_258 = arith.mulf %mul3A_257, %select_n3A_242 : vector<16xf32>
        %add3A_259 = arith.addf %add3A_256, %mul3A_258 : vector<16xf32>
        %mul3A_260 = arith.mulf %mul3A_249, %get3A_155 : vector<16xf32>
        %mul3A_261 = arith.mulf %mul3A_260, %select_n3A_243 : vector<16xf32>
        %add3A_262 = arith.addf %add3A_259, %mul3A_261 : vector<16xf32>
        %mul3A_263 = arith.mulf %mul3A_250, %get3A_150 : vector<16xf32>
        %mul3A_264 = arith.mulf %mul3A_263, %select_n3A_244 : vector<16xf32>
        %add3A_265 = arith.addf %add3A_262, %mul3A_264 : vector<16xf32>
        %mul3A_266 = arith.mulf %mul3A_250, %get3A_155 : vector<16xf32>
        %mul3A_267 = arith.mulf %mul3A_266, %select_n3A_245 : vector<16xf32>
        %add3A_268 = arith.addf %add3A_265, %mul3A_267 : vector<16xf32>
        %mul3A_269 = arith.mulf %mul3A_251, %get3A_150 : vector<16xf32>
        %mul3A_270 = arith.mulf %mul3A_269, %select_n3A_246 : vector<16xf32>
        %add3A_271 = arith.addf %add3A_268, %mul3A_270 : vector<16xf32>
        %mul3A_272 = arith.mulf %mul3A_251, %get3A_155 : vector<16xf32>
        %mul3A_273 = arith.mulf %mul3A_272, %select_n3A_247 : vector<16xf32>
        %add3A_274 = arith.addf %add3A_271, %mul3A_273 : vector<16xf32>
        %swap3A_275 = arith.index_cast %mul3A_125 : i32 to index
        %swap3A_276 = tpu.vector_load %arg8[%swap3A_275] {strides = array<i32>} : memref<1024xf32, #tpu.memory_space<vmem>>, vector<16xf32>,
        %swap3A_277 = vector.shape_cast %swap3A_276 : vector<16xf32> to vector<16xf32>
        %swap3A_278 = vector.shape_cast %add3A_274 : vector<16xf32> to vector<16xf32>
        tpu.vector_store %arg8[%swap3A_275], %swap3A_278 {strides = array<i32>} : memref<1024xf32, #tpu.memory_space<vmem>>, vector<16xf32>,
      }
      %scan3A_122 = arith.constant 64 : i32
      "tpu.region"() ({
        %run_scoped3A = tpu.sem_alloc : memref<!tpu.dma_semaphore, #tpu.memory_space<semaphore_mem>>
        %dma_start3A_123 = tpu.memref_slice %arg4[%add3A_108] : memref<4194304xf32, #tpu.memory_space<hbm>> -> memref<1024xf32, #tpu.memory_space<hbm>>
        %dma_start3A_124 = tpu.memref_slice %arg4[%add3A_108] : memref<4194304xf32, #tpu.memory_space<hbm>> -> memref<1024xf32, #tpu.memory_space<hbm>>
        tpu.enqueue_dma source(%arg8 : memref<1024xf32, #tpu.memory_space<vmem>>) target(%dma_start3A_124 : memref<1024xf32, #tpu.memory_space<hbm>>) target_semaphore(%run_scoped3A : memref<!tpu.dma_semaphore, #tpu.memory_space<semaphore_mem>>)
        %dma_wait3A_125 = tpu.memref_slice %arg4[%add3A_108] : memref<4194304xf32, #tpu.memory_space<hbm>> -> memref<1024xf32, #tpu.memory_space<hbm>>
        %dma_wait3A_126 = tpu.memref_slice %arg4[%add3A_108] : memref<4194304xf32, #tpu.memory_space<hbm>> -> memref<1024xf32, #tpu.memory_space<hbm>>
        tpu.wait_dma2 semaphore(%run_scoped3A : memref<!tpu.dma_semaphore, #tpu.memory_space<semaphore_mem>>) src(%arg8 : memref<1024xf32, #tpu.memory_space<vmem>>) dst(%dma_wait3A_126 : memref<1024xf32, #tpu.memory_space<hbm>>)
        tpu.yield
      }) : () -> ()
    }
    %scan3A_104 = arith.constant 128 : i32
    return
  }
}

</mosaic_0001>

<sc_bundles>
// kernel: _run.3.cloned.1.call-start
scs
__scs_entry_jumppad:
0x0: {  	(pc) =	sbr.rel $0x88, $3  }
0x1: {  	(tag) =	ssettag $0x0;
	lr =	simm.s32 $0x1  }
0x2: {  	[smem:$0x3F9F] =	sst lr;
	_ =	strace $0xD0000000  }
0x3: {  	_ = 	snop  }
0x4: {  	_ = 	snop  }
0x5: {  	_ = 	snop  }
0x6: {  	_ = 	snop  }
0x7: {  	_ = 	snop  }
__scs_overlays_trampoline_lowered:
0x8: {  	[smem:$0x3FAE] =	sst s0  }
0x9: {  	[smem:$0x3FAF] =	sst s1  }
0xa: {  	[smem:$0x3FB0] =	sst s2  }
0xb: {  	[smem:$0x3FB1] =	sst s3  }
0xc: {  	[smem:$0x3FB2] =	sst s4  }
0xd: {  	[smem:$0x3FB3] =	sst s5  }
0xe: {  	[smem:$0x3FB4] =	sst s6  }
0xf: {  	[smem:$0x3FB5] =	sst s7  }
0x10: {  	[smem:$0x3FB6] =	sst s8  }
0x11: {  	[smem:$0x3FB7] =	sst s9;
	s0 =	simm.s32 @!p0 $0x0  }
0x12: {  	s1 =	sld [smem:$0x3F9D];
	s0 =	simm.s32 @p0 $0x1  }
0x13: {  	[smem:$0x3FB8] =	sst s0;
	s0 =	simm.s32 @!p1 $0x0  }
0x14: {  	s2 =	sld [smem:$0x3F9C];
	s0 =	simm.s32 @p1 $0x1  }
0x15: {  	[smem:$0x3FB9] =	sst s0;
	s0 =	simm.s32 @!p2 $0x0  }
0x16: {  	s3 =	sld [smem:$0x3FDB];
	s0 =	simm.s32 @p2 $0x1  }
0x17: {  	s4 =	simm.s32 $0x1BF5;
	[smem:$0x3FBB] =	sst s0  }
0x18: {  	s0 =	sld [smem:$0x3F9E];
	_ =	swait.ge [sflag:s4], $0x0  }
0x19: {  	s7 =	sld [smem:$0x3F9F]  }
0x1a: {  	s8 =	sadd.s32 $0xFFFFE003, lr  }
0x1b: {  	s9 =	sadd.s32 $0xFFFFFEF7, lr;
	s5 =	simm.s32 $0xFFFFFFFF;
	p2 =	slt.u32 s8, $0xFFFFF086  }
0x1c: {  	p1 =	slt.u32 s9, $0xF7A;
	s5 =	simm.s32 @!p2 $0x0  }
0x1d: {  	s5 =	simm.s32 @p1 $0x1;
	p0 =	seq.s32 s7, s2  }
0x1e: {  	s7 =	smul.u32 @!p0 $0xF7A, s2;
	p2 =	seq.s32 @!p0 s5, $0x0  }
0x1f: {  	s9 =	smul.u32 $0xF7A, s1;
	s8 =	simm.s32 @!p0 $0x1BF5;
	p2 =	por !p2, p0  }
0x20: {  	[sflag:s8] =	ssyncset.s32 @!p0 $0xFFFFF086;
	s6 =	sadd.s32 @!p0 s3, s7;
	s7 =	simm.s32 @!p0 $0x108  }
0x21: {  	s3 =	sadd.s32 s3, s9;
	s6 =	sadd.s32 @!p0 $0x88, s6;
	s7 =	simm.s32 @p2 $0x1082  }
0x22: {  	[simem:s7], [sflag:s8] =	dma.local @!p0 [hbm:s6], $0xF7A  }
0x23: {  	s9 =	sor.u32 $0xD0000000, s2;
	s6 =	simm.s32 $0x108;
	_ =	swait.ge @!p0 [sflag:s8], $0x0  }
0x24: {  	s3 =	sadd.s32 $0x88, s3;
	s6 =	simm.s32 @!p1 $0x1082;
	[sflag:s4] =	ssyncset.s32 $0xFFFFF086  }
0x25: {  	[simem:s6], [sflag:s4] =	dma.local [hbm:s3], $0xF7A  }
0x26: {  	[smem:$0x3F9F] =	sst s1;
	(tag) =	ssettag s2;
	_ =	strace s9  }
0x27: {  	s1 =	sld [smem:$0x3FAF]  }
0x28: {  	s2 =	sld [smem:$0x3FB0]  }
0x29: {  	s4 =	sld [smem:$0x3FB2]  }
0x2a: {  	p0 =	seq.s32 s5, $0x0;
	s5 =	sld [smem:$0x3FB3]  }
0x2b: {  	s6 =	sld [smem:$0x3FB4]  }
0x2c: {  	s7 =	sld [smem:$0x3FB5]  }
0x2d: {  	s3 =	simm.s32 $0x108;
	s8 =	sld [smem:$0x3FB6]  }
0x2e: {  	s3 =	simm.s32 @!p0 $0x1082;
	s9 =	sld [smem:$0x3FB7]  }
0x2f: {  	lr =	sadd.s32 s0, s3;
	s0 =	sld [smem:$0x3FAE]  }
0x30: {  	s3 =	sld [smem:$0x3FB1]  }
0x31: {  	[smem:$0x3FBA] =	sst s10  }
0x32: {  	s10 =	sld [smem:$0x3FB8];
	_ =	sdelay $0x3  }
0x33: {  	p0 =	seq.s32 s10, $0x1;
	s10 =	sld [smem:$0x3FBA];
	_ =	sdelay $0x3  }
0x34: {  	[smem:$0x3FBA] =	sst s10  }
0x35: {  	s10 =	sld [smem:$0x3FB9];
	_ =	sdelay $0x3  }
0x36: {  	p1 =	seq.s32 s10, $0x1;
	s10 =	sld [smem:$0x3FBA];
	_ =	sdelay $0x3  }
0x37: {  	[smem:$0x3FBA] =	sst s10  }
0x38: {  	s10 =	sld [smem:$0x3FBB]  }
0x39: {  	_ = 	snop;
	(pc) =	sbr.ind lr, $3  }
0x3a: {  	_ = 	snop  }
0x3b: {  	_ = 	snop  }
0x3c: {  	p2 =	seq.s32 s10, $0x1;
	s10 =	sld [smem:$0x3FBA]  }
0x3d: {  	_ =	shalt  }
0x3e: {  	_ =	shalt  }
0x3f: {  	_ =	shalt  }
0x40: {  	_ =	shalt  }
0x41: {  	_ =	shalt  }
0x42: {  	_ =	shalt  }
0x43: {  	_ =	shalt  }
0x44: {  	_ =	shalt  }
0x45: {  	_ =	shalt  }
0x46: {  	_ =	shalt  }
0x47: {  	_ =	shalt  }
0x48: {  	_ =	shalt  }
0x49: {  	_ =	shalt  }
0x4a: {  	_ =	shalt  }
0x4b: {  	_ =	shalt  }
0x4c: {  	_ =	shalt  }
0x4d: {  	_ =	shalt  }
0x4e: {  	_ =	shalt  }
0x4f: {  	_ =	shalt  }
0x50: {  	_ =	shalt  }
0x51: {  	_ =	shalt  }
0x52: {  	_ =	shalt  }
0x53: {  	_ =	shalt  }
0x54: {  	_ =	shalt  }
0x55: {  	_ =	shalt  }
0x56: {  	_ =	shalt  }
0x57: {  	_ =	shalt  }
0x58: {  	_ =	shalt  }
0x59: {  	_ =	shalt  }
0x5a: {  	_ =	shalt  }
0x5b: {  	_ =	shalt  }
0x5c: {  	_ =	shalt  }
0x5d: {  	_ =	shalt  }
0x5e: {  	_ =	shalt  }
0x5f: {  	_ =	shalt  }
0x60: {  	_ =	shalt  }
0x61: {  	_ =	shalt  }
0x62: {  	_ =	shalt  }
0x63: {  	_ =	shalt  }
0x64: {  	_ =	shalt  }
0x65: {  	_ =	shalt  }
0x66: {  	_ =	shalt  }
0x67: {  	_ =	shalt  }
0x68: {  	_ =	shalt  }
0x69: {  	_ =	shalt  }
0x6a: {  	_ =	shalt  }
0x6b: {  	_ =	shalt  }
0x6c: {  	_ =	shalt  }
0x6d: {  	_ =	shalt  }
0x6e: {  	_ =	shalt  }
0x6f: {  	_ =	shalt  }
0x70: {  	_ =	shalt  }
0x71: {  	_ =	shalt  }
0x72: {  	_ =	shalt  }
0x73: {  	_ =	shalt  }
0x74: {  	_ =	shalt  }
0x75: {  	_ =	shalt  }
0x76: {  	_ =	shalt  }
0x77: {  	_ =	shalt  }
0x78: {  	_ =	shalt  }
0x79: {  	_ =	shalt  }
0x7a: {  	_ =	shalt  }
0x7b: {  	_ =	shalt  }
0x7c: {  	_ =	shalt  }
0x7d: {  	_ =	shalt  }
0x7e: {  	_ =	shalt  }
0x7f: {  	_ =	shalt  }
0x80: {  	_ =	shalt  }
0x81: {  	_ =	shalt  }
0x82: {  	_ =	shalt  }
0x83: {  	_ =	shalt  }
0x84: {  	_ =	shalt  }
0x85: {  	_ =	shalt  }
0x86: {  	_ =	shalt  }
0x87: {  	_ =	shalt  }
.Lfunc_end0:
.L_simem_size_0:
called_computation_lowered:
.L_overlay_start_0:
0x88: {  	s2 =	sld [smem:$0x3FD9]  }
0x89: {  	s3 =	sld [smem:$0x3FFE];
	_ =	sdelay $0x1  }
0x8a: {  	s1 =	srdreg.scid  }
0x8b: {  	s0 =	sand.u32 $0x1, s1  }
0x8c: {  	s18 =	sshll.u32 s0, $0xA;
	s2 =	sadd.s32 s3, s2  }
0x8d: {  	s2 =	sadd.s32 s2, s18  }
0x8e: {  	[smem:$0x3FC6] =	sst s2  }
0x8f: {  	_ = 	snop  }
0x90: {  	s2 =	sld [smem:$0x3FC9]  }
0x91: {  	s19 =	sld [smem:$0x3FC8]  }
0x92: {  	s4 =	sld [smem:$0x3FD0];
	(tm) =	ssettm $0x1  }
0x93: {  	s5 =	sld [smem:$0x3FFB];
	_ =	sdelay $0x3  }
0x94: {  	_ =	strace s5  }
0x95: {  	s5 =	sld [smem:$0x3FFC];
	_ =	sdelay $0x3  }
0x96: {  	_ =	strace s5  }
0x97: {  	s5 =	sld [smem:$0x3FFD];
	_ =	sdelay $0x3  }
0x98: {  	_ =	strace s5  }
0x99: {  	_ =	strace $0x8FFFFFFF  }
0x9a: {  	s20 =	sld [smem:$0x3FDB];
	_ =	sdelay $0x1  }
0x9b: {  	s6 =	simm.s32 $_scs_section_size  }
0x9c: {  	s7 =	simm.s32 $_size__tile_overlayer_lowered;
	s8 =	simm.s32 $_tile_overlayer_lowered  }
0x9d: {  	s23 =	simm.s32 $0x1BFF;
	s22 =	sshll.u32 s8, $0x1;
	s5 =	sadd.s32 s6, s20  }
0x9e: {  	s9 =	simm.s32 $0x0;
	s21 =	sshll.u32 s7, $0x1;
	s7 =	sadd.s32 s22, s5  }
0x9f: {  	[timem:s9], [sflag:s23] =	dma.local [hbm:s7], s21  }
0xa0: {  	_ =	swait.ge [sflag:s23], s21  }
0xa1: {  	s6 =	ssub.s32 $0x0, s21;
	[sflag:s23] =	ssyncset.done $0x0  }
0xa2: {  	[sflag:s23] =	ssyncadd.s32 s6;
	_ =	sdelay $0x1  }
0xa3: {  	s24 =	simm.s32 $0x1B8B  }
0xa4: {  	_ =	swait.ge [sflag:s24], $0x1  }
0xa5: {  	[sflag:s24] =	ssyncset.done $0x0  }
0xa6: {  	s25 =	simm.s32 $0x1B8E;
	[sflag:s24] =	ssyncadd.s32 $0xFFFFFFFF  }
0xa7: {  	s26 =	simm.s32 $execute0_lowered;
	[smem:$0x3FD2] =	sst s25  }
0xa8: {  	s6 =	sshll.u32 s26, $0x1;
	_ =	strace $0x80000046;
	[dreg:$0x1] =	wrdreg $0xFFFFFFFF  }
0xa9: {  	s28 =	simm.s32 $_size_execute0_lowered;
	s5 =	sadd.s32 s5, s6;
	[dreg:$0x0] =	wrdreg $0x0  }
0xaa: {  	s6 =	sshll.u32 s28, $0x1;
	[dreg:$0x2] =	wrdreg s5  }
0xab: {  	[dreg:$0x3] =	wrdreg s6  }
0xac: {  	[dreg:$0x4] =	wrdreg $0xC0  }
0xad: {  	_ =	task [dreg:s9], $0x5FFFF  }
0xae: {  	[dreg:$0x1] =	wrdreg $0xFFFFFFFF  }
0xaf: {  	[dreg:$0x0] =	wrdreg $0x60  }
0xb0: {  	[dreg:$0x2] =	wrdreg s2  }
0xb1: {  	[dreg:$0x3] =	wrdreg s19  }
0xb2: {  	[dreg:$0x4] =	wrdreg s4  }
0xb3: {  	[dreg:$0x5] =	wrdreg $0x9  }
0xb4: {  	_ =	task.clear_ibuf [dreg:s9], $0x6FFFF;
	_ =	strace $0x90000046  }
0xb5: {  	s29 =	simm.s32 $0x9;
	_ =	strace $0x80000048  }
0xb6: {  	_ =	swait.ge [sflag:s29], $0x1  }
0xb7: {  	[sflag:s29] =	ssyncadd.s32 $0xFFFFFFFF  }
0xb8: {  	_ =	strace $0x90000048  }
0xb9: {  	_ =	sfence  }
0xba: {  	s30 =	sld [smem:$0x0];
	_ =	sdelay $0x2  }
0xbb: {  	s31 =	sshll.u32 s1, $0xD;
	s1 =	sshrl.u32 s1, $0x2  }
0xbc: {  	s3 =	sand.u32 $0x4000, s31;
	s1 =	sadd.s32 s1, s30  }
0xbd: {  	s0 =	sor.u32 s3, s0;
	s1 =	sshll.u32 s1, $0x11  }
0xbe: {  	s0 =	sor.u32 s1, s0  }
0xbf: {  	s0 =	sadd.s32 $0x8F2B, s0  }
0xc0: {  	[sflag:s0] =	ssyncadd.remote.s32 $0x1  }
0xc1: {  	_ =	sfence.sel $0xFFFF  }
0xc2: {  	[dreg:$0x0] =	wrdreg $0xFFFFFFFF;
	(pc) =	sbr.abs _section_cstart, $3  }
0xc3: {  	[dreg:$0x1] =	wrdreg $0xFFFFFFFF  }
0xc4: {  	_ =	task.clear_ibuf [dreg:s9], $0x2FFFF;
	_ =	strace $0x9FFFFFFF  }
0xc5: {  	(tm) =	ssettm $0x7FFFFFFF  }
tec
execute0_lowered:
.L_overlay_start_1:
0x0: {  	(tag) =	ssettag $0x1  }
0x1: {  	v0 =	vimm.s32 $0x7F00  }
0x2: {  	v0 =	vunpack.c.0.s8.s32 v0  }
0x3: {  	vm0 =	vcmask $0x700  }
0x4: {  	vm5 =	vcmask $0xB08;
	v1 =	vnsel vm0, $0x1FFFFF, v0  }
0x5: {  	vm6 =	vcmask $0xF0C;
	s0 =	rddreg [dreg:$0x0];
	v1 =	vsel vm5, $0x3F80, v1  }
0x6: {  	vm7 =	vcmask $0x1310;
	s6 =	rddreg [dreg:$0x1];
	v1 =	vsel vm6, $0x3FFF, v1  }
0x7: {  	vm8 =	vcmask $0x1714;
	s2 =	rddreg [dreg:$0x2];
	v1 =	vsel vm7, $0x1FC000, v1  }
0x8: {  	vm9 =	vcmask $0x1B18;
	s4 =	srdreg.scid;
	s1 =	rddreg [dreg:$0x3];
	s3 =	simm.s32 $0x0;
	v1 =	vsel vm8, $0x1FC07F, v1  }
0x9: {  	vm10 =	vcmask $0x2720;
	s11 =	simm.s32 $0x8480;
	s12 =	simm.s32 $0x8500;
	s13 =	simm.s32 $0x1;
	v1 =	vsel vm9, $0x1FFF80, v1  }
0xa: {  	vm11 =	vcmask $0x2B28;
	s14 =	simm.s32 $0x8000;
	s15 =	simm.s32 $0x0;
	s5 =	sand.u32 $0x1, s4;
	v0 =	vsel vm10, v0, v1  }
0xb: {  	vm12 =	vcmask $0x2F2C;
	vm13 =	vcmask $0x3330;
	[smem:$0x7FF] =	sst s3;
	s4 =	stileid.u32;
	s7 =	ssub.s32 $0x2, s5;
	v0 =	vsel vm11, $0x3F80, v0  }
0xc: {  	vm14 =	vcmask $0x3734;
	_ =	strace $0x80000047;
	s10 =	sshll.u32 s4, $0x12;
	s5 =	sshll.u32 s5, $0x11;
	v0 =	vsel vm12, $0x3FFF, v0  }
0xd: {  	vm15 =	vcmask $0x3B38;
	v3 =	vlaneseq.u32;
	s9 =	sshrl.u32 s4, $0x3;
	s8 =	sshrl.u32 s7, $0x1;
	s5 =	sor.u32 s5, s10;
	v0 =	vsel vm13, $0x1FC000, v0  }
0xe: {  	v4 =	vimm.s32 $0x0;
	v5 =	vimm.s32 $0x2;
	s29 =	sshll.u32 s9, $0x1;
	s30 =	sshll.u32 s9, $0x15;
	s31 =	smul.u32 $0x6, s9;
	v0 =	vsel vm14, $0x1FC07F, v0  }
0xf: {  	v6 =	vimm.s32 $0x4;
	v7 =	vimm.f32 $0.0e+00;
	s9 =	simm.s32 $0x2;
	s10 =	simm.s32 $0x10;
	s7 =	ssub.s32 s7, s8;
	v1 =	vsel vm15, $0x1FFF80, v0  }
0x10: {  	s6 =	sadd.s32 s6, s29;
	s8 =	simm.s32 $0x8400;
	s7 =	smax.u32 s7, $0x1;
	v2 =	vmov s31;
	v0 =	vmov s30;
	v1 =	vor.u32 s30, v1  }
.LBB2_1:
0x11: {  	[tilespmem:s8], [sflag:$0x2] =	stream.linear.gather [hbm4b:s6+s3], $0x10, $0x38;
	[tilespmem:$0x8580] =	vst v63  }
0x12: {  	_ =	swait.ge [sflag:s9], $0x10  }
0x13: {  	[sflag:s9] =	ssyncset.done $0x0  }
0x14: {  	[sflag:s9] =	ssyncadd.s32 $0xFFFFFFF0  }
0x15: {  	v19 =	vld [tilespmem:$0x8400]  }
0x16: {  	[tilespmem:$0x8480] =	vst v1  }
0x17: {  	[tilespmem:s12], [sflag:$0x1] =	stream.indirect.gather [hbm4b:s0+s10], $0x1, s11, s10, $0xb8;
	[tilespmem:$0x8580] =	vst v63  }
0x18: {  	_ =	swait.ge [sflag:s13], $0x10  }
0x19: {  	[sflag:s13] =	ssyncset.done $0x0  }
0x1a: {  	[sflag:s13] =	ssyncadd.s32 $0xFFFFFFF0;
	v8 =	vbroadcast v19, $0x0;
	v9 =	vbroadcast v19, $0x3  }
0x1b: {  	v27 =	vld [tilespmem:$0x8500];
	v10 =	vbroadcast v19, $0x1;
	v11 =	vbroadcast v19, $0x2  }
0x1c: {  	v12 =	vbroadcast v19, $0x4;
	v13 =	vbroadcast v19, $0x7  }
0x1d: {  	v14 =	vbroadcast v19, $0x5;
	v15 =	vbroadcast v19, $0x6  }
0x1e: {  	v16 =	vbroadcast v19, $0x8;
	v17 =	vbroadcast v19, $0xB  }
0x1f: {  	v18 =	vbroadcast v19, $0x9;
	v19 =	vbroadcast v19, $0xA  }
0x20: {  	v20 =	vbroadcast v27, $0x1;
	v21 =	vbroadcast v27, $0x0  }
0x21: {  	v22 =	vbroadcast v27, $0x3;
	v23 =	vbroadcast v27, $0x2  }
0x22: {  	v24 =	vbroadcast v27, $0x5;
	v25 =	vbroadcast v27, $0x4  }
0x23: {  	s16 =	smov.u32 s5;
	s17 =	simm.s32 $0x0;
	v26 =	vbroadcast v27, $0x7;
	v27 =	vbroadcast v27, $0x6  }
.LBB2_2:
0x24: {  	s18 =	sadd.s32 $0x0, s16  }
0x25: {  	v28 =	vmov s18;
	v31 =	vor.u32 s18, v3  }
0x26: {  	v29 =	vand.u32 $0x7F, v31;
	v30 =	vshrl.u32 v28, $0x7  }
0x27: {  	v28 =	vshrl.u32 v28, $0xE;
	v30 =	vand.u32 $0x7F, v30;
	v29 =	vcvt.s32.f32 v29  }
0x28: {  	v28 =	vand.u32 $0x7F, v28;
	v30 =	vcvt.s32.f32 v30  }
0x29: {  	v28 =	vcvt.s32.f32 v28;
	v29 =	vmul.f32 $1.574803140e-02, v29  }
0x2a: {  	v30 =	vmul.f32 $1.574803140e-02, v30  }
0x2b: {  	v28 =	vmul.f32 $1.574803140e-02, v28;
	v29 =	vadd.f32 $-1.000000000e+00, v29  }
0x2c: {  	v30 =	vadd.f32 $-1.000000000e+00, v30  }
0x2d: {  	v28 =	vadd.f32 $-1.000000000e+00, v28;
	v32 =	vmul.f32 $6.553700000e+04, v29  }
0x2e: {  	v33 =	vmul.f32 $6.553700000e+04, v30  }
0x2f: {  	v34 =	vmul.f32 $6.553700000e+04, v28;
	v29 =	vsub.f32 v32, v29  }
0x30: {  	v30 =	vsub.f32 v33, v30  }
0x31: {  	v28 =	vsub.f32 v34, v28;
	v29 =	vsub.f32 v32, v29  }
0x32: {  	v30 =	vsub.f32 v33, v30  }
0x33: {  	v28 =	vsub.f32 v34, v28;
	v32 =	vmul.f32 v29, v11;
	v49 =	vmul.f32 v29, v15  }
0x34: {  	v50 =	vmul.f32 v30, v12;
	v35 =	vmul.f32 v30, v16  }
0x35: {  	v30 =	vmul.f32 v30, v8;
	v36 =	vmul.f32 v28, v10  }
0x36: {  	v29 =	vmul.f32 v29, v19;
	v37 =	vmul.f32 v28, v14;
	v34 =	vadd.f32 v50, v13  }
0x37: {  	v28 =	vmul.f32 v28, v18;
	v30 =	vadd.f32 v30, v9;
	v32 =	vadd.f32 v32, v36  }
0x38: {  	v33 =	vadd.f32 v49, v37;
	v35 =	vadd.f32 v35, v17  }
0x39: {  	v28 =	vadd.f32 v29, v28;
	v30 =	vadd.f32 v32, v30  }
0x3a: {  	v29 =	vadd.f32 v33, v34  }
0x3b: {  	v28 =	vadd.f32 v28, v35;
	v30 =	vadd.f32 $1.000000000e+00, v30  }
0x3c: {  	v29 =	vadd.f32 $1.000000000e+00, v29  }
0x3d: {  	v51 =	vadd.f32 $1.000000000e+00, v28;
	v30 =	vmul.f32 $5.000000000e-01, v30  }
0x3e: {  	v29 =	vmul.f32 $5.000000000e-01, v29  }
0x3f: {  	v28 =	vmul.f32 $1.280000000e+02, v30;
	v30 =	vmul.f32 $5.000000000e-01, v51  }
0x40: {  	v29 =	vmul.f32 $1.280000000e+02, v29  }
0x41: {  	v52 =	vand.u32 $0x3F, v31;
	v30 =	vmul.f32 $1.280000000e+02, v30;
	v53 =	vtrunc.f32 v28  }
0x42: {  	v32 =	vmul.u32 $0xC, v52;
	v54 =	vtrunc.f32 v29;
	v33 =	vcvt.f32.s32 v53  }
0x43: {  	v57 =	vcvt.f32.s32 v54  }
0x44: {  	v38 =	vadd.s32 v2, v32;
	v55 =	vtrunc.f32 v30;
	vm1 =	vgt.s32 v33, $0x0  }
0x45: {  	v56 =	vadd.s32 $0x1, v33;
	vm0 =	vgt.s32 v33, $0x7E;
	v58 =	vadd.s32 $0x1, v57  }
0x46: {  	v35 =	vcvt.f32.s32 v55;
	vm4 =	vgt.s32 v57, $0x0;
	vm2 =	vgt.s32 v56, $0x0  }
0x47: {  	v33 =	vnsel vm1, $0x0, v33;
	v39 =	vsel vm0, $0x1, v4;
	vm1 =	vgt.s32 v57, $0x7E  }
0x48: {  	vm3 =	vgt.s32 v58, $0x0;
	v36 =	vnsel vm4, $0x0, v57;
	v32 =	vnsel vm2, $0x0, v56  }
0x49: {  	v41 =	vmin.u32 v33, $0x7F;
	v40 =	vsel vm1, $0x3, v5;
	v59 =	vnsel vm3, $0x0, v58  }
0x4a: {  	vm4 =	vgt.s32 v35, $0x0;
	v60 =	vadd.s32 $0x1, v35;
	vm3 =	vgt.s32 v35, $0x7E  }
0x4b: {  	v36 =	vmin.u32 v36, $0x7F;
	v34 =	vmin.u32 v32, $0x7F;
	v32 =	vand.u32 $0x1FFFFF, v31  }
0x4c: {  	v31 =	vcvt.s32.f32 v41;
	v33 =	vmin.u32 v59, $0x7F;
	vm5 =	vgt.s32 v60, $0x0  }
0x4d: {  	v42 =	vsel vm3, $0x5, v6;
	v35 =	vnsel vm4, $0x0, v35;
	v61 =	vshll.u32 v36, $0x7  }
0x4e: {  	vm2 =	veq.s32 v34, v41;
	v37 =	vnsel vm5, $0x0, v60;
	v47 =	vsub.s32 v33, v36  }
0x4f: {  	vm4 =	veq.s32 v33, v36;
	v35 =	vmin.u32 v35, $0x7F;
	v43 =	vshll.u32 v33, $0x7  }
0x50: {  	v52 =	vor.u32 v41, v61;
	v50 =	vor.u32 v34, v61;
	v53 =	vsub.s32 v34, v41  }
0x51: {  	v48 =	vshll.u32 v47, $0x7;
	v40 =	vsel vm4, v40, v42;
	v49 =	vshll.u32 v35, $0x7  }
0x52: {  	v37 =	vmin.u32 v37, $0x7F;
	v62 =	vor.u32 v34, v43;
	v51 =	vor.u32 v41, v43  }
0x53: {  	v60 =	vshll.u32 v35, $0xE;
	vm7 =	vmor vm2, vm4;
	v44 =	vor.u32 v34, v49  }
0x54: {  	v39 =	vsel vm2, v39, v40;
	vm5 =	veq.s32 v37, v35;
	v54 =	vsub.s32 v37, v35  }
0x55: {  	v61 =	vor.u32 v0, v60;
	v42 =	vadd.s32 v53, v48;
	v55 =	vshll.u32 v37, $0x7  }
0x56: {  	v46 =	vor.u32 v36, v49;
	v57 =	vor.u32 v33, v49;
	v49 =	vor.u32 v41, v49  }
0x57: {  	v38 =	vadd.s32 v39, v38;
	v63 =	vsel vm4, v44, v62;
	v43 =	vsel vm4, v44, v50  }
0x58: {  	v45 =	vor.u32 v61, v52;
	vm6 =	vmor vm5, vm7;
	v58 =	vor.u32 v34, v55  }
0x59: {  	v59 =	vor.u32 v41, v55;
	v60 =	vsel vm4, v49, v51;
	vm8 =	vmor vm4, vm5  }
0x5a: {  	v38 =	vshll.u32 v38, $0xE;
	v56 =	vadd.s32 v48, v45;
	v62 =	vadd.s32 v42, v45  }
0x5b: {  	v44 =	vadd.s32 v53, v45;
	v39 =	vsel vm2, v57, v63;
	v58 =	vsel vm4, v58, v50  }
0x5c: {  	v63 =	vadd.s32 v54, v47;
	v50 =	vshll.u32 v54, $0xE;
	v61 =	vsel vm2, v57, v60  }
0x5d: {  	v51 =	vsel vm4, v59, v51;
	v57 =	vsel vm4, v49, v52;
	v60 =	vsel vm4, v59, v52  }
0x5e: {  	v40 =	vadd.s32 $0x400000, v38;
	v54 =	vadd.s32 v53, v50;
	v63 =	vsub.s32 $0x0, v63  }
0x5f: {  	v47 =	vsel vm2, v46, v57;
	v39 =	vor.u32 v39, v40;
	v41 =	vadd.s32 v45, v54  }
0x60: {  	v47 =	vor.u32 v47, v40;
	v38 =	vsel vm6, v39, v62;
	v62 =	vadd.s32 v50, v48  }
0x61: {  	v39 =	vor.u32 v61, v40;
	v61 =	vor.u32 v36, v55;
	v52 =	vsel vm6, v47, v45  }
0x62: {  	v38 =	vsel vm7, v32, v38;
	v48 =	vadd.s32 v45, v62;
	vm7 =	veq.s32 v53, v63  }
0x63: {  	s31 =	sshll.u32 s17, $0xA;
	s22 =	simm.s32 $0x0;
	s30 =	simm.s32 $0x10;
	v39 =	vsel vm6, v39, v56;
	v49 =	vsel vm2, v61, v60;
	v62 =	vsel vm2, v61, v58  }
0x64: {  	s24 =	simm.s32 $0x10;
	s23 =	simm.s32 $0x0;
	s21 =	simm.s32 $0x0;
	v63 =	vadd.s32 v50, v45;
	v53 =	vor.u32 v33, v55;
	v49 =	vor.u32 v49, v40  }
0x65: {  	s18 =	sadd.s32 s5, s31;
	s20 =	sand.u32 $0x1C00, s22;
	s19 =	sor.u32 s22, s22;
	v39 =	vsel vm4, v32, v39;
	v47 =	vor.u32 v62, v40;
	v49 =	vsel vm6, v49, v63  }
.LBB2_3:
0x66: {  	s26 =	sadd.s32 s30, s16  }
0x67: {  	v51 =	vsel vm2, v53, v51;
	v52 =	vsel vm7, v32, v52;
	v50 =	vadd.s32 v50, v42;
	s22 =	sadd.s32 $0x80, s22;
	s29 =	smov.u32 s30;
	s25 =	sadd.s32 $0x10, s30  }
0x68: {  	p0 =	sne.s32 s30, $0x3F0;
	v53 =	vmov s26;
	v42 =	vor.u32 s26, v3;
	s28 =	sand.u32 $0x1C00, s22;
	s26 =	sor.u32 s22, s29;
	v51 =	vor.u32 v51, v40  }
0x69: {  	v54 =	vand.u32 $0x7F, v42;
	v55 =	vshrl.u32 v53, $0x7;
	v53 =	vshrl.u32 v53, $0xE  }
0x6a: {  	v55 =	vand.u32 $0x7F, v55;
	v53 =	vand.u32 $0x7F, v53;
	v54 =	vcvt.s32.f32 v54  }
0x6b: {  	v48 =	vsel vm6, v51, v48;
	v55 =	vcvt.s32.f32 v55;
	v53 =	vcvt.s32.f32 v53  }
0x6c: {  	v45 =	vadd.s32 v45, v50;
	v48 =	vsel vm8, v32, v48;
	v51 =	vmul.f32 $1.574803140e-02, v54  }
0x6d: {  	v45 =	vsel vm6, v32, v45;
	v50 =	vmul.f32 $1.574803140e-02, v55;
	v53 =	vmul.f32 $1.574803140e-02, v53  }
0x6e: {  	v36 =	vcvt.s32.f32 v36;
	v43 =	vsel vm2, v46, v43;
	v51 =	vadd.f32 $-1.000000000e+00, v51  }
0x6f: {  	v40 =	vor.u32 v43, v40;
	v46 =	vadd.f32 $-1.000000000e+00, v50;
	v50 =	vadd.f32 $-1.000000000e+00, v53  }
0x70: {  	v36 =	vsub.f32 v29, v36;
	v40 =	vsel vm6, v40, v44;
	v43 =	vmul.f32 $6.553700000e+04, v51  }
0x71: {  	v40 =	vsel vm2, v32, v40;
	v44 =	vmul.f32 $6.553700000e+04, v46;
	v53 =	vmul.f32 $6.553700000e+04, v50  }
0x72: {  	v37 =	vcvt.s32.f32 v37;
	vm8 =	vmor vm2, vm5;
	v51 =	vsub.f32 v43, v51  }
0x73: {  	v35 =	vcvt.s32.f32 v35;
	v46 =	vsub.f32 v44, v46;
	v50 =	vsub.f32 v53, v50  }
0x74: {  	v34 =	vcvt.s32.f32 v34;
	v37 =	vsub.f32 v37, v30;
	v43 =	vsub.f32 v43, v51  }
0x75: {  	v44 =	vsub.f32 v44, v46;
	v46 =	vsub.f32 v53, v50;
	v50 =	vand.u32 $0x3F, v42  }
0x76: {  	v35 =	vsub.f32 v30, v35;
	v51 =	vmul.f32 v43, v11;
	v53 =	vmul.f32 v43, v15  }
0x77: {  	v50 =	vmul.u32 $0xC, v50;
	v30 =	vmul.f32 v44, v12;
	v54 =	vmul.f32 v44, v16  }
0x78: {  	v49 =	vsel vm5, v32, v49;
	v44 =	vmul.f32 v44, v8;
	v55 =	vmul.f32 v46, v10  }
0x79: {  	s30 =	sand.u32 $0x3F0, s21;
	v43 =	vmul.f32 v43, v19;
	v56 =	vmul.f32 v46, v14;
	v30 =	vadd.f32 v30, v13;
	[tilespmem:s23+$0x0] =	vst v52;
	s23 =	smov.u32 s24  }
0x7a: {  	v46 =	vmul.f32 v46, v18;
	v44 =	vadd.f32 v44, v9;
	v51 =	vadd.f32 v51, v55;
	[tilespmem:s30+$0x1C00] =	vst v45  }
0x7b: {  	v33 =	vcvt.s32.f32 v33;
	v52 =	vadd.f32 v54, v17;
	v45 =	vadd.f32 v53, v56;
	[tilespmem:s30+$0x400] =	vst v49  }
0x7c: {  	v43 =	vadd.f32 v43, v46;
	v44 =	vadd.f32 v51, v44;
	[tilespmem:s30+$0x1000] =	vst v40;
	v40 =	vsel vm6, v47, v41  }
0x7d: {  	v33 =	vsub.f32 v33, v29;
	v30 =	vadd.f32 v45, v30;
	v29 =	vsel vm8, v32, v40;
	[tilespmem:s30+$0x1800] =	vst v38  }
0x7e: {  	v32 =	vadd.f32 v43, v52;
	v38 =	vadd.f32 $1.000000000e+00, v44;
	v40 =	vsel vm0, v24, v25;
	[tilespmem:s30+$0xC00] =	vst v48  }
0x7f: {  	v31 =	vsub.f32 v28, v31;
	s31 =	sand.u32 $0x70, s21;
	s21 =	smov.u32 s29;
	v30 =	vadd.f32 $1.000000000e+00, v30;
	[tilespmem:s30+$0x1400] =	vst v29;
	v29 =	vsel vm7, $0x3F800000, v7  }
0x80: {  	s29 =	sor.u32 s31, s20;
	v34 =	vsub.f32 v34, v28;
	s20 =	smov.u32 s28;
	v38 =	vmul.f32 $5.000000000e-01, v38;
	v32 =	vadd.f32 $1.000000000e+00, v32;
	[tilespmem:s30+$0x800] =	vst v39  }
0x81: {  	v41 =	vsel vm0, v22, v23;
	v30 =	vmul.f32 $5.000000000e-01, v30;
	v39 =	vsel vm0, v20, v21;
	[tilespmem:s29+$0x4300] =	vst v29  }
0x82: {  	v28 =	vmul.f32 $1.280000000e+02, v38;
	v32 =	vmul.f32 $5.000000000e-01, v32;
	v38 =	vsel vm0, v26, v27;
	[tilespmem:s29+$0x4080] =	vst v31  }
0x83: {  	v29 =	vmul.f32 $1.280000000e+02, v30;
	v31 =	vsel vm1, v38, v40;
	[tilespmem:s29+$0x4200] =	vst v37;
	v37 =	vsel vm2, $0x3F800000, v7  }
0x84: {  	v38 =	vsel vm1, v41, v39;
	v30 =	vmul.f32 $1.280000000e+02, v32;
	v32 =	vtrunc.f32 v28;
	[tilespmem:s29+$0x4000] =	vst v34  }
0x85: {  	v31 =	vsel vm3, v31, v38;
	v32 =	vcvt.f32.s32 v32;
	[tilespmem:s29+$0x4280] =	vst v35;
	v35 =	vsel vm4, $0x3F800000, v7  }
0x86: {  	v39 =	vadd.s32 v2, v50;
	v34 =	vtrunc.f32 v29;
	v38 =	vtrunc.f32 v30;
	[tilespmem:s29+$0x4180] =	vst v36  }
0x87: {  	s28 =	sor.u32 $0x380, s19;
	s19 =	smov.u32 s26;
	v40 =	vcvt.f32.s32 v34;
	vm1 =	vgt.s32 v32, $0x0;
	v36 =	vadd.s32 $0x1, v32;
	[tilespmem:s29+$0x4100] =	vst v33  }
0x88: {  	vm0 =	vgt.s32 v32, $0x7E;
	vm2 =	vgt.s32 v36, $0x0;
	[tilespmem:s28+$0x4000] =	vst v31;
	v31 =	vsel vm5, $0x3F800000, v7  }
0x89: {  	v32 =	vnsel vm1, $0x0, v32;
	v41 =	vsel vm0, $0x1, v4;
	v33 =	vnsel vm2, $0x0, v36;
	[tilespmem:s29+$0x6000] =	vst v37  }
0x8a: {  	vm1 =	vgt.s32 v40, $0x7E;
	v34 =	vmin.u32 v33, $0x7F;
	v33 =	vadd.s32 $0x1, v40;
	[tilespmem:s29+$0x6100] =	vst v31  }
0x8b: {  	v47 =	vmin.u32 v32, $0x7F;
	v32 =	vand.u32 $0x1FFFFF, v42;
	v37 =	vsel vm1, $0x3, v5;
	[tilespmem:s29+$0x6080] =	vst v35  }
0x8c: {  	vm3 =	vgt.s32 v33, $0x0;
	vm2 =	veq.s32 v34, v47;
	v35 =	vcvt.f32.s32 v38  }
0x8d: {  	vm4 =	vgt.s32 v40, $0x0;
	v31 =	vcvt.s32.f32 v47;
	v33 =	vnsel vm3, $0x0, v33  }
0x8e: {  	v36 =	vnsel vm4, $0x0, v40;
	vm4 =	vgt.s32 v35, $0x0;
	v38 =	vadd.s32 $0x1, v35  }
0x8f: {  	v33 =	vmin.u32 v33, $0x7F;
	vm3 =	vgt.s32 v35, $0x7E;
	vm5 =	vgt.s32 v38, $0x0  }
0x90: {  	v36 =	vmin.u32 v36, $0x7F;
	v40 =	vsel vm3, $0x5, v6;
	v38 =	vnsel vm5, $0x0, v38  }
0x91: {  	v48 =	vsub.s32 v33, v36;
	v35 =	vnsel vm4, $0x0, v35;
	vm4 =	veq.s32 v33, v36  }
0x92: {  	v49 =	vshll.u32 v48, $0x7;
	v35 =	vmin.u32 v35, $0x7F;
	v40 =	vsel vm4, v37, v40  }
0x93: {  	v42 =	vshll.u32 v36, $0x7;
	v43 =	vshll.u32 v33, $0x7;
	v50 =	vshll.u32 v35, $0x7  }
0x94: {  	v52 =	vor.u32 v47, v42;
	v37 =	vmin.u32 v38, $0x7F;
	v38 =	vor.u32 v34, v50  }
0x95: {  	v40 =	vsel vm2, v41, v40;
	v41 =	vor.u32 v34, v42;
	v42 =	vor.u32 v34, v43  }
0x96: {  	vm5 =	veq.s32 v37, v35;
	v39 =	vadd.s32 v40, v39;
	v51 =	vsel vm4, v38, v42  }
0x97: {  	v53 =	vsub.s32 v34, v47;
	v54 =	vor.u32 v47, v43;
	v39 =	vshll.u32 v39, $0xE  }
0x98: {  	vm7 =	vmor vm2, vm4;
	v55 =	vsub.s32 v37, v35;
	v40 =	vshll.u32 v35, $0xE  }
0x99: {  	v42 =	vor.u32 v0, v40;
	v43 =	vsel vm4, v38, v41;
	v40 =	vadd.s32 $0x400000, v39  }
0x9a: {  	vm6 =	vmor vm5, vm7;
	v45 =	vor.u32 v42, v52;
	v42 =	vadd.s32 v53, v49  }
0x9b: {  	v56 =	vshll.u32 v37, $0x7;
	v39 =	vadd.s32 v49, v45;
	v38 =	vadd.s32 v42, v45  }
0x9c: {  	v46 =	vor.u32 v36, v50;
	v57 =	vor.u32 v33, v50;
	v44 =	vadd.s32 v53, v45  }
0x9d: {  	v58 =	vor.u32 v47, v50;
	v50 =	vor.u32 v34, v56;
	v51 =	vsel vm2, v57, v51  }
0x9e: {  	v47 =	vor.u32 v47, v56;
	v59 =	vsel vm4, v50, v41;
	v41 =	vor.u32 v51, v40  }
0x9f: {  	v48 =	vadd.s32 v55, v48;
	v51 =	vsel vm4, v58, v54;
	v38 =	vsel vm6, v41, v38  }
0xa0: {  	v50 =	vshll.u32 v55, $0xE;
	v55 =	vsel vm2, v57, v51;
	v38 =	vsel vm7, v32, v38  }
0xa1: {  	v51 =	vsel vm4, v47, v54;
	v41 =	vadd.s32 v50, v49;
	v49 =	vadd.s32 v53, v50  }
0xa2: {  	v54 =	vsub.s32 $0x0, v48;
	v48 =	vadd.s32 v45, v41;
	v41 =	vadd.s32 v45, v49  }
0xa3: {  	vm7 =	veq.s32 v53, v54;
	v49 =	vsel vm4, v58, v52;
	v53 =	vor.u32 v55, v40  }
.Ltmp0:
0xa4: {  	v47 =	vsel vm4, v47, v52;
	v49 =	vsel vm2, v46, v49;
	v39 =	vsel vm6, v53, v39;
	(pc) =	sbr.rel @p0 .LBB2_3-.Ltmp0, $4  }
0xa5: {  	v53 =	vor.u32 v36, v56;
	v49 =	vor.u32 v49, v40;
	v39 =	vsel vm4, v32, v39  }
0xa6: {  	vm8 =	vmor vm4, vm5;
	v47 =	vsel vm2, v53, v47;
	v52 =	vsel vm6, v49, v45  }
0xa7: {  	v54 =	vsel vm2, v53, v59;
	v49 =	vadd.s32 v50, v45;
	v47 =	vor.u32 v47, v40  }
0xa8: {  	s24 =	sadd.s32 $0x10, s24;
	s30 =	smov.u32 s25;
	v53 =	vor.u32 v33, v56;
	v49 =	vsel vm6, v47, v49;
	v47 =	vor.u32 v54, v40  }
0xa9: {  	v61 =	vsel vm7, v32, v52  }
0xaa: {  	s22 =	sand.u32 $0x3F0, s21;
	v63 =	vsel vm5, v32, v49;
	[tilespmem:s23+$0x0] =	vst v61  }
0xab: {  	vm15 =	vmor vm2, vm5;
	v41 =	vsel vm6, v47, v41;
	[tilespmem:s22+$0x400] =	vst v63  }
0xac: {  	v42 =	vadd.s32 v50, v42;
	v43 =	vsel vm2, v46, v43;
	v49 =	vsel vm15, v32, v41;
	[tilespmem:s22+$0x1800] =	vst v38  }
0xad: {  	v62 =	vsel vm2, v53, v51;
	v42 =	vadd.s32 v45, v42;
	v43 =	vor.u32 v43, v40;
	[tilespmem:s22+$0x1400] =	vst v49  }
0xae: {  	v45 =	vor.u32 v62, v40;
	v42 =	vsel vm6, v32, v42;
	v43 =	vsel vm6, v43, v44;
	[tilespmem:s22+$0x800] =	vst v39  }
0xaf: {  	v40 =	vsel vm6, v45, v48;
	[tilespmem:s22+$0x1C00] =	vst v42;
	v46 =	vsel vm2, v32, v43  }
0xb0: {  	v37 =	vcvt.s32.f32 v37;
	s25 =	sand.u32 $0x70, s21;
	v40 =	vsel vm8, v32, v40;
	[tilespmem:s22+$0x1000] =	vst v46  }
0xb1: {  	v50 =	vcvt.s32.f32 v34;
	v31 =	vsub.f32 v28, v31;
	v51 =	vsel vm7, $0x3F800000, v7;
	s20 =	sor.u32 s25, s20;
	[tilespmem:s22+$0xC00] =	vst v40  }
0xb2: {  	v35 =	vcvt.s32.f32 v35;
	v37 =	vsub.f32 v37, v30;
	[tilespmem:s20+$0x4300] =	vst v51  }
0xb3: {  	v52 =	vcvt.s32.f32 v36;
	v28 =	vsub.f32 v50, v28;
	[tilespmem:s20+$0x4080] =	vst v31  }
0xb4: {  	v33 =	vcvt.s32.f32 v33;
	v30 =	vsub.f32 v30, v35;
	[tilespmem:s20+$0x4200] =	vst v37  }
0xb5: {  	v53 =	vsel vm0, v24, v25;
	v54 =	vsel vm0, v22, v23;
	v31 =	vsub.f32 v29, v52;
	[tilespmem:s20+$0x4000] =	vst v28  }
0xb6: {  	v55 =	vsel vm0, v26, v27;
	v29 =	vsub.f32 v33, v29;
	v28 =	vsel vm0, v20, v21;
	[tilespmem:s20+$0x4280] =	vst v30  }
0xb7: {  	v30 =	vsel vm1, v55, v53;
	v28 =	vsel vm1, v54, v28;
	[tilespmem:s20+$0x4180] =	vst v31  }
0xb8: {  	s19 =	sor.u32 $0x380, s19;
	v28 =	vsel vm3, v30, v28;
	[tilespmem:s20+$0x4100] =	vst v29  }
0xb9: {  	v29 =	vsel vm2, $0x3F800000, v7;
	[tilespmem:s19+$0x4000] =	vst v28  }
0xba: {  	v28 =	vsel vm5, $0x3F800000, v7;
	[tilespmem:s20+$0x6000] =	vst v29  }
0xbb: {  	v29 =	vsel vm4, $0x3F800000, v7;
	[tilespmem:s20+$0x6100] =	vst v28  }
0xbc: {  	s26 =	simm.s32 $0x0;
	s19 =	simm.s32 $0x2000;
	[tilespmem:s20+$0x6080] =	vst v29  }
0xbd: {  	[tilespmem:s19], [sflag:$0x1] =	stream.indirect.gather [hbm4b:s0+s19], $0x1, s26, s19, $0xb8;
	[tilespmem:$0x8580] =	vst v63  }
0xbe: {  	_ =	swait.ge [sflag:s13], $0x2000  }
0xbf: {  	s28 =	sand.u32 $0x70, s26;
	s29 =	sand.u32 $0x1C00, s26;
	[sflag:s13] =	ssyncset.done $0x0  }
0xc0: {  	s21 =	sor.u32 s28, s29;
	[sflag:s13] =	ssyncadd.s32 $0xFFFFE000  }
0xc1: {  	v28 =	vld [tilespmem:s21+$0x4080]  }
0xc2: {  	v29 =	vld [tilespmem:s21+$0x4200]  }
0xc3: {  	v30 =	vld [tilespmem:s21+$0x4280]  }
0xc4: {  	v31 =	vld [tilespmem:s21+$0x4180]  }
0xc5: {  	v56 =	vld [tilespmem:s21+$0x4100]  }
0xc6: {  	s20 =	sand.u32 $0x3F0, s26;
	v57 =	vld [tilespmem:s21+$0x4000]  }
0xc7: {  	v58 =	vld [tilespmem:s20+$0x2400]  }
0xc8: {  	v59 =	vld [tilespmem:s21+$0x4300]  }
0xc9: {  	v60 =	vld [tilespmem:s21+$0x6100]  }
0xca: {  	v61 =	vld [tilespmem:s21+$0x6080]  }
0xcb: {  	v52 =	vld [tilespmem:s21+$0x6000]  }
0xcc: {  	v38 =	vld [tilespmem:s19+$0x0]  }
0xcd: {  	v34 =	vld [tilespmem:s21+$0x4380]  }
0xce: {  	v63 =	vld [tilespmem:s20+$0x2800];
	v62 =	vmul.f32 v56, v28;
	v32 =	vmul.f32 v56, v57  }
0xcf: {  	v48 =	vld [tilespmem:s20+$0x2C00];
	v33 =	vmul.f32 v31, v57;
	v28 =	vmul.f32 v31, v28;
	vm12 =	vgt.f32 v60, $5.000000000e-01  }
0xd0: {  	vm13 =	vgt.f32 v59, $5.000000000e-01;
	vm14 =	vgt.f32 v61, $5.000000000e-01;
	vm15 =	vgt.f32 v52, $5.000000000e-01  }
0xd1: {  	v53 =	vld [tilespmem:s20+$0x3000];
	v35 =	vsel vm12, v38, v58;
	v50 =	vmul.f32 v29, v32;
	v32 =	vmul.f32 v30, v32  }
0xd2: {  	v49 =	vld [tilespmem:s20+$0x3800];
	v54 =	vsel vm13, v34, v38;
	v51 =	vmul.f32 v29, v33;
	v55 =	vsel vm13, v34, v35  }
0xd3: {  	v56 =	vld [tilespmem:s20+$0x3400];
	v41 =	vsel vm14, v38, v63;
	v43 =	vmul.f32 v54, v50;
	v32 =	vmul.f32 v55, v32  }
0xd4: {  	v42 =	vsel vm14, v35, v48;
	v57 =	vsel vm13, v34, v41;
	v33 =	vmul.f32 v30, v33  }
0xd5: {  	v42 =	vsel vm12, v41, v42;
	v58 =	vmul.f32 v57, v51;
	v32 =	vadd.f32 v32, v43  }
0xd6: {  	v59 =	vld [tilespmem:s20+$0x3C00];
	v38 =	vsel vm15, v38, v53;
	v31 =	vmul.f32 v30, v62;
	v60 =	vsel vm13, v34, v42  }
0xd7: {  	v40 =	vmul.f32 v29, v62;
	v33 =	vmul.f32 v60, v33;
	v32 =	vadd.f32 v58, v32  }
0xd8: {  	v37 =	vsel vm14, v38, v49;
	v39 =	vsel vm13, v34, v38;
	v35 =	vsel vm15, v35, v56  }
0xd9: {  	v61 =	vmul.f32 v39, v40;
	v35 =	vsel vm12, v38, v35;
	v32 =	vadd.f32 v33, v32  }
0xda: {  	v29 =	vmul.f32 v29, v28;
	v37 =	vsel vm15, v41, v37;
	v38 =	vsel vm13, v34, v35  }
0xdb: {  	v35 =	vsel vm14, v35, v59;
	v31 =	vmul.f32 v38, v31;
	v32 =	vadd.f32 v32, v61  }
0xdc: {  	v28 =	vmul.f32 v30, v28;
	v63 =	vsel vm13, v34, v37;
	v62 =	vsel vm15, v42, v35  }
0xdd: {  	v29 =	vmul.f32 v63, v29;
	v30 =	vsel vm12, v37, v62;
	v31 =	vadd.f32 v31, v32  }
0xde: {  	v30 =	vsel vm13, v34, v30  }
0xdf: {  	v28 =	vmul.f32 v30, v28;
	v29 =	vadd.f32 v29, v31;
	_ =	sdelay $0x1  }
0xe0: {  	s30 =	simm.s32 $0x10;
	s21 =	simm.s32 $0x80;
	v28 =	vadd.f32 v28, v29  }
0xe1: {  	s31 =	sand.u32 $0x70, s30;
	s24 =	sand.u32 $0x1C00, s21;
	s20 =	simm.s32 $0x8000  }
0xe2: {  	s24 =	sor.u32 s31, s24;
	[tilespmem:s20+$0x0] =	vst v28  }
0xe3: {  	v31 =	vld [tilespmem:s24+$0x4080]  }
0xe4: {  	v30 =	vld [tilespmem:s24+$0x4200]  }
0xe5: {  	v28 =	vld [tilespmem:s24+$0x4280]  }
0xe6: {  	v32 =	vld [tilespmem:s24+$0x4180]  }
0xe7: {  	v33 =	vld [tilespmem:s24+$0x4100]  }
0xe8: {  	v34 =	vld [tilespmem:s24+$0x4000]  }
0xe9: {  	s23 =	sand.u32 $0x3F0, s30;
	s22 =	simm.s32 $0x20;
	v29 =	vld [tilespmem:s24+$0x4380]  }
.LBB2_5:
0xea: {  	p0 =	sne.s32 s22, $0x3F0;
	v35 =	vld [tilespmem:s23+$0x2400]  }
0xeb: {  	v36 =	vld [tilespmem:s24+$0x4300]  }
0xec: {  	s19 =	sadd.s32 $0x10, s19;
	v37 =	vld [tilespmem:s24+$0x6100]  }
0xed: {  	v38 =	vld [tilespmem:s19+$0x0]  }
0xee: {  	v40 =	vmul.f32 v33, v31;
	v39 =	vld [tilespmem:s24+$0x6080]  }
0xef: {  	v33 =	vmul.f32 v33, v34;
	v34 =	vmul.f32 v32, v34;
	v41 =	vld [tilespmem:s23+$0x2800]  }
0xf0: {  	v31 =	vmul.f32 v32, v31;
	v32 =	vmul.f32 v28, v40;
	v42 =	vld [tilespmem:s23+$0x2C00]  }
0xf1: {  	v43 =	vmul.f32 v30, v33;
	v44 =	vmul.f32 v30, v34;
	vm0 =	vgt.f32 v37, $5.000000000e-01;
	v37 =	vld [tilespmem:s23+$0x3800]  }
0xf2: {  	v33 =	vmul.f32 v28, v33;
	vm1 =	vgt.f32 v36, $5.000000000e-01;
	v36 =	vld [tilespmem:s24+$0x6000];
	v35 =	vsel vm0, v38, v35  }
0xf3: {  	v45 =	vsel vm1, v29, v38;
	vm2 =	vgt.f32 v39, $5.000000000e-01;
	v39 =	vld [tilespmem:s23+$0x3000];
	v46 =	vsel vm1, v29, v35  }
0xf4: {  	v43 =	vmul.f32 v45, v43;
	v47 =	vld [tilespmem:s23+$0x3400];
	v41 =	vsel vm2, v38, v41;
	v33 =	vmul.f32 v46, v33  }
0xf5: {  	v34 =	vmul.f32 v28, v34;
	v42 =	vsel vm2, v35, v42;
	v45 =	vsel vm1, v29, v41  }
0xf6: {  	v42 =	vsel vm0, v41, v42;
	v33 =	vadd.f32 v33, v43;
	v43 =	vmul.f32 v45, v44  }
0xf7: {  	v40 =	vmul.f32 v30, v40;
	vm3 =	vgt.f32 v36, $5.000000000e-01;
	v36 =	vld [tilespmem:s23+$0x3C00];
	v44 =	vsel vm1, v29, v42  }
0xf8: {  	v38 =	vsel vm3, v38, v39;
	v33 =	vadd.f32 v43, v33;
	v34 =	vmul.f32 v44, v34  }
0xf9: {  	v37 =	vsel vm2, v38, v37;
	v35 =	vsel vm3, v35, v47;
	v39 =	vsel vm1, v29, v38  }
0xfa: {  	v35 =	vsel vm0, v38, v35;
	v33 =	vadd.f32 v34, v33;
	v34 =	vmul.f32 v39, v40  }
0xfb: {  	v30 =	vmul.f32 v30, v31;
	v37 =	vsel vm3, v41, v37;
	v38 =	vsel vm1, v29, v35  }
0xfc: {  	v35 =	vsel vm2, v35, v36;
	v33 =	vadd.f32 v33, v34;
	v32 =	vmul.f32 v38, v32  }
0xfd: {  	v28 =	vmul.f32 v28, v31;
	v34 =	vsel vm3, v42, v35;
	v35 =	vsel vm1, v29, v37  }
0xfe: {  	v31 =	vsel vm0, v37, v34;
	v32 =	vadd.f32 v32, v33;
	v30 =	vmul.f32 v35, v30  }
0xff: {  	v29 =	vsel vm1, v29, v31  }
0x100: {  	v30 =	vadd.f32 v30, v32;
	v28 =	vmul.f32 v29, v28;
	_ =	sdelay $0x1  }
0x101: {  	s21 =	sadd.s32 $0x80, s21;
	v28 =	vadd.f32 v28, v30  }
0x102: {  	s20 =	sadd.s32 $0x10, s20;
	s24 =	sand.u32 $0x1C00, s21;
	s23 =	sand.u32 $0x70, s22  }
0x103: {  	s24 =	sor.u32 s23, s24;
	[tilespmem:s20+$0x0] =	vst v28  }
0x104: {  	v31 =	vld [tilespmem:s24+$0x4080]  }
0x105: {  	v30 =	vld [tilespmem:s24+$0x4200]  }
.Ltmp1:
0x106: {  	v28 =	vld [tilespmem:s24+$0x4280];
	(pc) =	sbr.rel @p0 .LBB2_5-.Ltmp1, $4  }
0x107: {  	v32 =	vld [tilespmem:s24+$0x4180]  }
0x108: {  	v33 =	vld [tilespmem:s24+$0x4100]  }
0x109: {  	v34 =	vld [tilespmem:s24+$0x4000]  }
0x10a: {  	s23 =	sand.u32 $0x3F0, s22;
	s22 =	sadd.s32 $0x10, s22;
	v29 =	vld [tilespmem:s24+$0x4380]  }
0x10b: {  	v35 =	vld [tilespmem:s23+$0x2400]  }
0x10c: {  	v36 =	vld [tilespmem:s24+$0x4300]  }
0x10d: {  	v37 =	vld [tilespmem:s24+$0x6100];
	s19 =	sadd.s32 $0x10, s19  }
0x10e: {  	v38 =	vld [tilespmem:s19+$0x0]  }
0x10f: {  	v39 =	vld [tilespmem:s24+$0x6080];
	v40 =	vmul.f32 v33, v31  }
0x110: {  	v41 =	vld [tilespmem:s23+$0x2800];
	v48 =	vmul.f32 v33, v34;
	v49 =	vmul.f32 v32, v34  }
0x111: {  	v42 =	vld [tilespmem:s23+$0x2C00];
	v50 =	vmul.f32 v32, v31;
	v51 =	vmul.f32 v28, v40  }
0x112: {  	v52 =	vld [tilespmem:s23+$0x3800];
	vm0 =	vgt.f32 v37, $5.000000000e-01;
	v43 =	vmul.f32 v30, v48;
	v44 =	vmul.f32 v30, v49  }
0x113: {  	v53 =	vld [tilespmem:s24+$0x6000];
	vm1 =	vgt.f32 v36, $5.000000000e-01;
	v33 =	vmul.f32 v28, v48;
	v35 =	vsel vm0, v38, v35  }
0x114: {  	v54 =	vld [tilespmem:s23+$0x3000];
	vm2 =	vgt.f32 v39, $5.000000000e-01;
	v45 =	vsel vm1, v29, v38;
	v46 =	vsel vm1, v29, v35  }
0x115: {  	v47 =	vld [tilespmem:s23+$0x3400];
	v41 =	vsel vm2, v38, v41;
	v43 =	vmul.f32 v45, v43;
	v33 =	vmul.f32 v46, v33  }
0x116: {  	v34 =	vmul.f32 v28, v49;
	v42 =	vsel vm2, v35, v42;
	v55 =	vsel vm1, v29, v41  }
0x117: {  	v42 =	vsel vm0, v41, v42;
	v56 =	vmul.f32 v55, v44;
	v33 =	vadd.f32 v33, v43  }
0x118: {  	v57 =	vld [tilespmem:s23+$0x3C00];
	v40 =	vmul.f32 v30, v40;
	vm3 =	vgt.f32 v53, $5.000000000e-01;
	v58 =	vsel vm1, v29, v42  }
0x119: {  	v38 =	vsel vm3, v38, v54;
	v34 =	vmul.f32 v58, v34;
	v33 =	vadd.f32 v56, v33  }
0x11a: {  	v37 =	vsel vm2, v38, v52;
	v35 =	vsel vm3, v35, v47;
	v39 =	vsel vm1, v29, v38  }
0x11b: {  	v35 =	vsel vm0, v38, v35;
	v59 =	vmul.f32 v39, v40;
	v33 =	vadd.f32 v34, v33  }
0x11c: {  	v60 =	vmul.f32 v30, v50;
	v37 =	vsel vm3, v41, v37;
	v38 =	vsel vm1, v29, v35  }
0x11d: {  	v35 =	vsel vm2, v35, v57;
	v32 =	vmul.f32 v38, v51;
	v33 =	vadd.f32 v33, v59  }
0x11e: {  	v28 =	vmul.f32 v28, v50;
	v62 =	vsel vm1, v29, v37;
	v61 =	vsel vm3, v42, v35  }
0x11f: {  	v30 =	vmul.f32 v62, v60;
	v63 =	vsel vm0, v37, v61;
	v32 =	vadd.f32 v32, v33  }
0x120: {  	v29 =	vsel vm1, v29, v63  }
0x121: {  	v28 =	vmul.f32 v29, v28;
	v30 =	vadd.f32 v30, v32;
	_ =	sdelay $0x1  }
0x122: {  	s17 =	sadd.s32 $0x1, s17;
	v28 =	vadd.f32 v28, v30  }
0x123: {  	s31 =	sadd.s32 $0x10, s20;
	s18 =	sshrl.u32 s18, $0x3;
	p0 =	sne.s32 s17, $0x80  }
.Ltmp2:
0x124: {  	s18 =	sadd.s32 s2, s18;
	[tilespmem:s31+$0x0] =	vst v28;
	(pc) =	sbr.rel @p0 .LBB2_2-.Ltmp2, $4  }
0x125: {  	[hbm4b:s18+s3] =	stream.linear.scatter [tilespmem:s14], [sflag:$0x2], $0x400, $0x38;
	[tilespmem:$0x8580] =	vst v63  }
0x126: {  	_ =	swait.ge [sflag:s9], $0x400  }
0x127: {  	[sflag:s9] =	ssyncset.done $0x0  }
0x128: {  	s16 =	sadd.s32 $0x400, s16;
	[sflag:s9] =	ssyncadd.s32 $0xFFFFFC00  }
0x129: {  	s15 =	sadd.s32 $0x1, s15  }
0x12a: {  	p0 =	sne.s32 s15, s7  }
.Ltmp3:
0x12b: {  	_ = 	snop;
	(pc) =	sbr.rel @p0 .LBB2_1-.Ltmp3, $1  }
0x12c: {  	_ =	sdelay $0x3  }
0x12d: {  	_ =	sfence.sel $0x180000  }
0x12e: {  	[bflag:$0x0] =	sbarrier.arrive $0xFFFF  }
0x12f: {  	p0 =	sne.s32 s4, $0x0;
	_ =	strace $0x90000047  }
0x130: {  	s0 =	sadd.s32 @!p0 $0x100000, s1;
	[bflag:$0x2] =	sbarrier.arrive $0xFFFF  }
0x131: {  	[sflag:s0] =	ssyncadd.tile.s32 @!p0 $0x1;
	_ =	shalt  }
.Lfunc_end2:
_tile_overlayer_lowered:
.L_overlay_start_2:
0x132: {  	(tag) =	ssettag $0x2  }
0x133: {  	s0 =	rddreg [dreg:$0x0];
	s2 =	stileid.u32  }
0x134: {  	s1 =	rddreg [dreg:$0x1];
	p0 =	sne.s32 s2, $0x0  }
0x135: {  	s3 =	rddreg [dreg:$0x2];
	[bflag:$0x3] =	sbarrier.arrive $0xFFFF;
	s2 =	simm.s32 @!p0 $0x1C02  }
0x136: {  	[timem:s3], [sflag:s2] =	dma.local @!p0 [hbm:s0], s1  }
0x137: {  	s0 =	simm.s32 @!p0 $0x2  }
0x138: {  	_ =	swait.ge @!p0 [sflag:s0], s1  }
0x139: {  	s1 =	ssub.s32 @!p0 $0x0, s1;
	[sflag:s0] =	ssyncset.done @!p0 $0x0  }
0x13a: {  	[sflag:s0] =	ssyncadd.s32 @!p0 s1  }
0x13b: {  	[bflag:$0x3] =	sbarrier.arrive $0xFFFF  }
0x13c: {  	_ =	shalt  }

</sc_bundles>
